<compile_context>
chip_gen: v7x
topology: tpu7x:2x2x1
jax: 0.10.2.dev20260603
libtpu: 0.0.44.dev20260713+nightly
codegen_flags: <defaults>
</compile_context>

<pallas_src>
import functools
import math

import jax
import jax.numpy as jnp
from jax import lax
from jax.experimental import pallas as pl
from jax.experimental.pallas import tpu as pltpu
from jax.experimental.pallas import tpu_sc as plsc

D_MODEL = 64
SCALE = math.sqrt(D_MODEL)

_INFO = plsc.get_sparse_core_info()
_NC, _NS, _L = _INFO.num_cores, _INFO.num_subcores, _INFO.num_lanes
_NW = _NC * _NS

CHUNK = 512
SUBGATHER = 128


def _make_emb(B: int):
    b_per_w = B // _NW
    nchunks = b_per_w // CHUNK
    n_sub = CHUNK // SUBGATHER
    vregs_per_row = D_MODEL // _L
    assert nchunks % 2 == 0 and nchunks >= 2

    mesh = plsc.VectorSubcoreMesh(core_axis_name="c", subcore_axis_name="s")

    @functools.partial(
        pl.kernel,
        mesh=mesh,
        out_type=jax.ShapeDtypeStruct((B, D_MODEL), jnp.float32),
        scratch_types=[
            pltpu.VMEM((b_per_w,), jnp.int32),
            pltpu.VMEM((2, CHUNK, D_MODEL), jnp.float32),
            pltpu.SemaphoreType.DMA,
            pltpu.SemaphoreType.DMA,
        ],
        compiler_params=pltpu.CompilerParams(use_tc_tiling_on_sc=False),
    )
    def emb(x_hbm, lut_hbm, out_hbm, idx_v, rows_v, sem_g, sem_s):
        wid = lax.axis_index("s") * _NC + lax.axis_index("c")
        base = wid * b_per_w
        pltpu.sync_copy(x_hbm.at[pl.ds(base, b_per_w)], idx_v)

        def fire_gather(ci, buf):
            for k in range(n_sub):
                pltpu.async_copy(
                    lut_hbm.at[idx_v.at[pl.ds(ci * CHUNK + k * SUBGATHER,
                                              SUBGATHER)]],
                    rows_v.at[buf].at[pl.ds(k * SUBGATHER, SUBGATHER)],
                    sem_g,
                )

        def wait_gather(ci, buf):
            for k in range(n_sub):
                pltpu.make_async_copy(
                    lut_hbm.at[idx_v.at[pl.ds(ci * CHUNK + k * SUBGATHER,
                                              SUBGATHER)]],
                    rows_v.at[buf].at[pl.ds(k * SUBGATHER, SUBGATHER)],
                    sem_g,
                ).wait()

        fire_gather(0, 0)

        @pl.loop(0, nchunks, step=2)
        def _outer(ci0):
            for b in range(2):
                ci = ci0 + b
                nb = 1 - b

                @pl.when(ci >= 1)
                def _wait_prev_store():
                    pltpu.make_async_copy(
                        rows_v.at[nb],
                        out_hbm.at[pl.ds(base + (ci - 1) * CHUNK, CHUNK)],
                        sem_s,
                    ).wait()

                @pl.when(ci + 1 < nchunks)
                def _fire_next_gather():
                    fire_gather(ci + 1, nb)

                wait_gather(ci, b)

                @pl.loop(0, CHUNK, unroll=8)
                def _scale(r):
                    for j in range(vregs_per_row):
                        sl = pl.ds(j * _L, _L)
                        rows_v[b, r, sl] = rows_v[b, r, sl] * jnp.float32(SCALE)

                pltpu.async_copy(
                    rows_v.at[b],
                    out_hbm.at[pl.ds(base + ci * CHUNK, CHUNK)],
                    sem_s,
                )

        pltpu.make_async_copy(
            rows_v.at[1],
            out_hbm.at[pl.ds(base + (nchunks - 1) * CHUNK, CHUNK)],
            sem_s,
        ).wait()

    return emb


def kernel(x, lut):
    B = x.shape[0] * x.shape[1]
    out = _make_emb(B)(x.reshape(B), lut)
    return out.reshape(x.shape + (D_MODEL,))

# --- scband reference (transcript-rebuilt; emitter-appended) ---
"""Pipeline reference for scband-embeddings-83743272337908 (READ-ONLY COPY).

The authoritative reference and input builder live on the scoring server;
editing this copy changes nothing except your own understanding.
"""

import jax, jax.numpy as jnp
import numpy as np
import math

D_MODEL = 64
VOCAB = 1000000
PADDING_IDX = 0

def setup_inputs(seed: int = 0) -> dict:
    key = jax.random.key(seed)
    k1, k2 = jax.random.split(key)
    x = jax.random.randint(k1, (4096, 200), 0, VOCAB, dtype=jnp.int64 if jax.config.jax_enable_x64 else jnp.int32).astype(jnp.int32)
    lut = jax.random.normal(k2, (VOCAB, D_MODEL), dtype=jnp.float32)
    # padding_idx row is zero-initialized in torch nn.Embedding
    lut = lut.at[PADDING_IDX].set(0.0)
    return {"x": x, "lut": lut}

def reference(x, lut):
    # Embeddings.forward: self.lut(x) * math.sqrt(self.d_model)
    # nn.Embedding with padding_idx: output for padding_idx tokens is the (zeroed) row
    emb = jnp.take(lut, x, axis=0)
    return emb * math.sqrt(D_MODEL)

if __name__ == "__main__":
    import jax
    _d = setup_inputs()
    print(jax.jit(kernel)(*tuple(_d.values())))

</pallas_src>

<mosaic_0001>
#map = affine_map<(d0, d1) -> (0)>
#map1 = affine_map<(d0, d1) -> (0, 0)>
module attributes {stable_mosaic.version = 14 : i64} {
  func.func @emb(%arg0: i32, %arg1: i32, %arg2: memref<819200xi32, #tpu.memory_space<hbm>>, %arg3: memref<1000000x64xf32, #tpu.memory_space<hbm>>, %arg4: memref<819200x64xf32, #tpu.memory_space<hbm>>, %arg5: memref<25600xi32, #tpu.memory_space<vmem>>, %arg6: memref<2x512x64xf32, #tpu.memory_space<vmem>>, %arg7: memref<!tpu.dma_semaphore, #tpu.memory_space<semaphore_mem>>, %arg8: memref<!tpu.dma_semaphore, #tpu.memory_space<semaphore_mem>>) attributes {dimension_semantics = [#tpu.dimension_semantics<core_parallel>, #tpu.dimension_semantics<subcore_parallel>], iteration_bounds = array<i64: 2, 16>, scalar_prefetch = 0 : i64, scratch_operands = 4 : i64, tpu.core_type = #tpu.core_type<sc_vector_subcore>, window_params = [{transform_indices = #map}, {transform_indices = #map1}, {transform_indices = #map1}]} {
    %mul3A = arith.constant 2 : i32
    %mul3A_0 = arith.muli %arg1, %mul3A : i32
    %add3A = arith.addi %mul3A_0, %arg0 : i32
    %mul3A_1 = arith.constant 25600 : i32
    %mul3A_2 = arith.muli %add3A, %mul3A_1 : i32
    "tpu.region"() ({
      %run_scoped3A = tpu.sem_alloc : memref<!tpu.dma_semaphore, #tpu.memory_space<semaphore_mem>>
      %dma_start3A_72 = tpu.memref_slice %arg2[%mul3A_2] : memref<819200xi32, #tpu.memory_space<hbm>> -> memref<25600xi32, #tpu.memory_space<hbm>>
      %dma_start3A_73 = tpu.memref_slice %arg2[%mul3A_2] : memref<819200xi32, #tpu.memory_space<hbm>> -> memref<25600xi32, #tpu.memory_space<hbm>>
      tpu.enqueue_dma source(%dma_start3A_73 : memref<25600xi32, #tpu.memory_space<hbm>>) target(%arg5 : memref<25600xi32, #tpu.memory_space<vmem>>) target_semaphore(%run_scoped3A : memref<!tpu.dma_semaphore, #tpu.memory_space<semaphore_mem>>)
      %dma_wait3A_74 = tpu.memref_slice %arg2[%mul3A_2] : memref<819200xi32, #tpu.memory_space<hbm>> -> memref<25600xi32, #tpu.memory_space<hbm>>
      %dma_wait3A_75 = tpu.memref_slice %arg2[%mul3A_2] : memref<819200xi32, #tpu.memory_space<hbm>> -> memref<25600xi32, #tpu.memory_space<hbm>>
      tpu.wait_dma2 semaphore(%run_scoped3A : memref<!tpu.dma_semaphore, #tpu.memory_space<semaphore_mem>>) src(%dma_wait3A_75 : memref<25600xi32, #tpu.memory_space<hbm>>) dst(%arg5 : memref<25600xi32, #tpu.memory_space<vmem>>)
      tpu.yield
    }) : () -> ()
    %dma_start3A = arith.constant 0 : i32
    %dma_start3A_3 = arith.constant 0 : i32
    %dma_start3A_4 = arith.constant 0 : i32
    %dma_start3A_5 = tpu.memref_slice %arg6[%dma_start3A, %dma_start3A_3, %dma_start3A_4] : memref<2x512x64xf32, #tpu.memory_space<vmem>> -> memref<1x512x64xf32, #tpu.memory_space<vmem>>
    %dma_start3A_6 = tpu.memref_squeeze %dma_start3A_5 : memref<1x512x64xf32, #tpu.memory_space<vmem>> -> memref<512x64xf32, #tpu.memory_space<vmem>>
    %dma_start3A_7 = arith.constant 0 : i32
    %dma_start3A_8 = arith.constant 0 : i32
    %dma_start3A_9 = tpu.memref_slice %dma_start3A_6[%dma_start3A_7, %dma_start3A_8] : memref<512x64xf32, #tpu.memory_space<vmem>> -> memref<128x64xf32, #tpu.memory_space<vmem>>
    %dma_start3A_10 = arith.constant 0 : i32
    %dma_start3A_11 = tpu.memref_slice %arg5[%dma_start3A_10] : memref<25600xi32, #tpu.memory_space<vmem>> -> memref<128xi32, #tpu.memory_space<vmem>>
    %dma_start3A_12 = arith.constant 0 : i32
    %dma_start3A_13 = arith.constant 0 : i32
    %dma_start3A_14 = tpu.memref_slice %arg3[%dma_start3A_12, %dma_start3A_13] : memref<1000000x64xf32, #tpu.memory_space<hbm>> -> memref<1000000x64xf32, #tpu.memory_space<hbm>>
    tpu.enqueue_indirect_dma source(%dma_start3A_14 : memref<1000000x64xf32, #tpu.memory_space<hbm>>) target(%dma_start3A_9 : memref<128x64xf32, #tpu.memory_space<vmem>>) offsets(%dma_start3A_11 : memref<128xi32, #tpu.memory_space<vmem>>) semaphore(%arg7 : memref<!tpu.dma_semaphore, #tpu.memory_space<semaphore_mem>>)
    %dma_start3A_15 = arith.constant 0 : i32
    %dma_start3A_16 = arith.constant 0 : i32
    %dma_start3A_17 = arith.constant 0 : i32
    %dma_start3A_18 = tpu.memref_slice %arg6[%dma_start3A_15, %dma_start3A_16, %dma_start3A_17] : memref<2x512x64xf32, #tpu.memory_space<vmem>> -> memref<1x512x64xf32, #tpu.memory_space<vmem>>
    %dma_start3A_19 = tpu.memref_squeeze %dma_start3A_18 : memref<1x512x64xf32, #tpu.memory_space<vmem>> -> memref<512x64xf32, #tpu.memory_space<vmem>>
    %dma_start3A_20 = arith.constant 128 : i32
    %dma_start3A_21 = arith.constant 0 : i32
    %dma_start3A_22 = tpu.memref_slice %dma_start3A_19[%dma_start3A_20, %dma_start3A_21] : memref<512x64xf32, #tpu.memory_space<vmem>> -> memref<128x64xf32, #tpu.memory_space<vmem>>
    %dma_start3A_23 = arith.constant 128 : i32
    %dma_start3A_24 = tpu.memref_slice %arg5[%dma_start3A_23] : memref<25600xi32, #tpu.memory_space<vmem>> -> memref<128xi32, #tpu.memory_space<vmem>>
    %dma_start3A_25 = arith.constant 0 : i32
    %dma_start3A_26 = arith.constant 0 : i32
    %dma_start3A_27 = tpu.memref_slice %arg3[%dma_start3A_25, %dma_start3A_26] : memref<1000000x64xf32, #tpu.memory_space<hbm>> -> memref<1000000x64xf32, #tpu.memory_space<hbm>>
    tpu.enqueue_indirect_dma source(%dma_start3A_27 : memref<1000000x64xf32, #tpu.memory_space<hbm>>) target(%dma_start3A_22 : memref<128x64xf32, #tpu.memory_space<vmem>>) offsets(%dma_start3A_24 : memref<128xi32, #tpu.memory_space<vmem>>) semaphore(%arg7 : memref<!tpu.dma_semaphore, #tpu.memory_space<semaphore_mem>>)
    %dma_start3A_28 = arith.constant 0 : i32
    %dma_start3A_29 = arith.constant 0 : i32
    %dma_start3A_30 = arith.constant 0 : i32
    %dma_start3A_31 = tpu.memref_slice %arg6[%dma_start3A_28, %dma_start3A_29, %dma_start3A_30] : memref<2x512x64xf32, #tpu.memory_space<vmem>> -> memref<1x512x64xf32, #tpu.memory_space<vmem>>
    %dma_start3A_32 = tpu.memref_squeeze %dma_start3A_31 : memref<1x512x64xf32, #tpu.memory_space<vmem>> -> memref<512x64xf32, #tpu.memory_space<vmem>>
    %dma_start3A_33 = arith.constant 256 : i32
    %dma_start3A_34 = arith.constant 0 : i32
    %dma_start3A_35 = tpu.memref_slice %dma_start3A_32[%dma_start3A_33, %dma_start3A_34] : memref<512x64xf32, #tpu.memory_space<vmem>> -> memref<128x64xf32, #tpu.memory_space<vmem>>
    %dma_start3A_36 = arith.constant 256 : i32
    %dma_start3A_37 = tpu.memref_slice %arg5[%dma_start3A_36] : memref<25600xi32, #tpu.memory_space<vmem>> -> memref<128xi32, #tpu.memory_space<vmem>>
    %dma_start3A_38 = arith.constant 0 : i32
    %dma_start3A_39 = arith.constant 0 : i32
    %dma_start3A_40 = tpu.memref_slice %arg3[%dma_start3A_38, %dma_start3A_39] : memref<1000000x64xf32, #tpu.memory_space<hbm>> -> memref<1000000x64xf32, #tpu.memory_space<hbm>>
    tpu.enqueue_indirect_dma source(%dma_start3A_40 : memref<1000000x64xf32, #tpu.memory_space<hbm>>) target(%dma_start3A_35 : memref<128x64xf32, #tpu.memory_space<vmem>>) offsets(%dma_start3A_37 : memref<128xi32, #tpu.memory_space<vmem>>) semaphore(%arg7 : memref<!tpu.dma_semaphore, #tpu.memory_space<semaphore_mem>>)
    %dma_start3A_41 = arith.constant 0 : i32
    %dma_start3A_42 = arith.constant 0 : i32
    %dma_start3A_43 = arith.constant 0 : i32
    %dma_start3A_44 = tpu.memref_slice %arg6[%dma_start3A_41, %dma_start3A_42, %dma_start3A_43] : memref<2x512x64xf32, #tpu.memory_space<vmem>> -> memref<1x512x64xf32, #tpu.memory_space<vmem>>
    %dma_start3A_45 = tpu.memref_squeeze %dma_start3A_44 : memref<1x512x64xf32, #tpu.memory_space<vmem>> -> memref<512x64xf32, #tpu.memory_space<vmem>>
    %dma_start3A_46 = arith.constant 384 : i32
    %dma_start3A_47 = arith.constant 0 : i32
    %dma_start3A_48 = tpu.memref_slice %dma_start3A_45[%dma_start3A_46, %dma_start3A_47] : memref<512x64xf32, #tpu.memory_space<vmem>> -> memref<128x64xf32, #tpu.memory_space<vmem>>
    %dma_start3A_49 = arith.constant 384 : i32
    %dma_start3A_50 = tpu.memref_slice %arg5[%dma_start3A_49] : memref<25600xi32, #tpu.memory_space<vmem>> -> memref<128xi32, #tpu.memory_space<vmem>>
    %dma_start3A_51 = arith.constant 0 : i32
    %dma_start3A_52 = arith.constant 0 : i32
    %dma_start3A_53 = tpu.memref_slice %arg3[%dma_start3A_51, %dma_start3A_52] : memref<1000000x64xf32, #tpu.memory_space<hbm>> -> memref<1000000x64xf32, #tpu.memory_space<hbm>>
    tpu.enqueue_indirect_dma source(%dma_start3A_53 : memref<1000000x64xf32, #tpu.memory_space<hbm>>) target(%dma_start3A_48 : memref<128x64xf32, #tpu.memory_space<vmem>>) offsets(%dma_start3A_50 : memref<128xi32, #tpu.memory_space<vmem>>) semaphore(%arg7 : memref<!tpu.dma_semaphore, #tpu.memory_space<semaphore_mem>>)
    %scan3A = arith.constant 0 : i32
    %scan3A_54 = arith.constant 25 : i32
    %scan3A_55 = arith.addi %scan3A, %scan3A_54 : i32
    %scan3A_56 = arith.constant 1 : i32
    scf.for %scan3A_72 = %scan3A to %scan3A_55 step %scan3A_56  : i32 {
      %mul3A_73 = arith.constant 2 : i32
      %mul3A_74 = arith.muli %scan3A_72, %mul3A_73 : i32
      %add3A_75 = arith.constant 0 : i32
      %add3A_76 = arith.addi %add3A_75, %mul3A_74 : i32
      %add3A_77 = arith.constant 0 : i32
      %add3A_78 = arith.addi %add3A_76, %add3A_77 : i32
      %ge3A = arith.constant 1 : i32
      %ge3A_79 = arith.cmpi sge, %add3A_78, %ge3A : i32
      %convert_element_type3A = arith.extui %ge3A_79 : i1 to i32
      %cond3A = arith.constant 0 : i32
      %cond3A_80 = arith.cmpi ne, %convert_element_type3A, %cond3A : i32
      scf.if %cond3A_80 {
        %sub3A = arith.constant 1 : i32
        %sub3A_271 = arith.subi %add3A_78, %sub3A : i32
        %mul3A_272 = arith.constant 512 : i32
        %mul3A_273 = arith.muli %sub3A_271, %mul3A_272 : i32
        %add3A_274 = arith.addi %mul3A_2, %mul3A_273 : i32
        %dma_wait3A_275 = arith.constant 1 : i32
        %dma_wait3A_276 = arith.constant 0 : i32
        %dma_wait3A_277 = arith.constant 0 : i32
        %dma_wait3A_278 = tpu.memref_slice %arg6[%dma_wait3A_275, %dma_wait3A_276, %dma_wait3A_277] : memref<2x512x64xf32, #tpu.memory_space<vmem>> -> memref<1x512x64xf32, #tpu.memory_space<vmem>>
        %dma_wait3A_279 = tpu.memref_squeeze %dma_wait3A_278 : memref<1x512x64xf32, #tpu.memory_space<vmem>> -> memref<512x64xf32, #tpu.memory_space<vmem>>
        %dma_wait3A_280 = arith.constant 0 : i32
        %dma_wait3A_281 = tpu.memref_slice %arg4[%add3A_274, %dma_wait3A_280] : memref<819200x64xf32, #tpu.memory_space<hbm>> -> memref<512x64xf32, #tpu.memory_space<hbm>>
        %dma_wait3A_282 = arith.constant 0 : i32
        %dma_wait3A_283 = tpu.memref_slice %arg4[%add3A_274, %dma_wait3A_282] : memref<819200x64xf32, #tpu.memory_space<hbm>> -> memref<512x64xf32, #tpu.memory_space<hbm>>
        %dma_wait3A_284 = arith.constant 0 : i32
        %dma_wait3A_285 = arith.constant 0 : i32
        %dma_wait3A_286 = tpu.memref_slice %arg6[%dma_wait3A_275, %dma_wait3A_284, %dma_wait3A_285] : memref<2x512x64xf32, #tpu.memory_space<vmem>> -> memref<1x512x64xf32, #tpu.memory_space<vmem>>
        %dma_wait3A_287 = tpu.memref_squeeze %dma_wait3A_286 : memref<1x512x64xf32, #tpu.memory_space<vmem>> -> memref<512x64xf32, #tpu.memory_space<vmem>>
        tpu.wait_dma2 semaphore(%arg8 : memref<!tpu.dma_semaphore, #tpu.memory_space<semaphore_mem>>) src(%dma_wait3A_287 : memref<512x64xf32, #tpu.memory_space<vmem>>) dst(%dma_wait3A_283 : memref<512x64xf32, #tpu.memory_space<hbm>>)
      } else {
      }
      %add3A_81 = arith.constant 1 : i32
      %add3A_82 = arith.addi %add3A_78, %add3A_81 : i32
      %lt3A = arith.constant 50 : i32
      %lt3A_83 = arith.cmpi slt, %add3A_82, %lt3A : i32
      %convert_element_type3A_84 = arith.extui %lt3A_83 : i1 to i32
      %cond3A_85 = arith.constant 0 : i32
      %cond3A_86 = arith.cmpi ne, %convert_element_type3A_84, %cond3A_85 : i32
      scf.if %cond3A_86 {
        %add3A_271 = arith.constant 1 : i32
        %add3A_272 = arith.addi %add3A_78, %add3A_271 : i32
        %mul3A_273 = arith.constant 512 : i32
        %mul3A_274 = arith.muli %add3A_272, %mul3A_273 : i32
        %add3A_275 = arith.constant 0 : i32
        %add3A_276 = arith.addi %mul3A_274, %add3A_275 : i32
        %dma_start3A_277 = arith.constant 1 : i32
        %dma_start3A_278 = arith.constant 0 : i32
        %dma_start3A_279 = arith.constant 0 : i32
        %dma_start3A_280 = tpu.memref_slice %arg6[%dma_start3A_277, %dma_start3A_278, %dma_start3A_279] : memref<2x512x64xf32, #tpu.memory_space<vmem>> -> memref<1x512x64xf32, #tpu.memory_space<vmem>>
        %dma_start3A_281 = tpu.memref_squeeze %dma_start3A_280 : memref<1x512x64xf32, #tpu.memory_space<vmem>> -> memref<512x64xf32, #tpu.memory_space<vmem>>
        %dma_start3A_282 = arith.constant 0 : i32
        %dma_start3A_283 = arith.constant 0 : i32
        %dma_start3A_284 = tpu.memref_slice %dma_start3A_281[%dma_start3A_282, %dma_start3A_283] : memref<512x64xf32, #tpu.memory_space<vmem>> -> memref<128x64xf32, #tpu.memory_space<vmem>>
        %dma_start3A_285 = tpu.memref_slice %arg5[%add3A_276] : memref<25600xi32, #tpu.memory_space<vmem>> -> memref<128xi32, #tpu.memory_space<vmem>>
        %dma_start3A_286 = arith.constant 0 : i32
        %dma_start3A_287 = arith.constant 0 : i32
        %dma_start3A_288 = tpu.memref_slice %arg3[%dma_start3A_286, %dma_start3A_287] : memref<1000000x64xf32, #tpu.memory_space<hbm>> -> memref<1000000x64xf32, #tpu.memory_space<hbm>>
        tpu.enqueue_indirect_dma source(%dma_start3A_288 : memref<1000000x64xf32, #tpu.memory_space<hbm>>) target(%dma_start3A_284 : memref<128x64xf32, #tpu.memory_space<vmem>>) offsets(%dma_start3A_285 : memref<128xi32, #tpu.memory_space<vmem>>) semaphore(%arg7 : memref<!tpu.dma_semaphore, #tpu.memory_space<semaphore_mem>>)
        %mul3A_289 = arith.constant 512 : i32
        %mul3A_290 = arith.muli %add3A_272, %mul3A_289 : i32
        %add3A_291 = arith.constant 128 : i32
        %add3A_292 = arith.addi %mul3A_290, %add3A_291 : i32
        %dma_start3A_293 = arith.constant 1 : i32
        %dma_start3A_294 = arith.constant 0 : i32
        %dma_start3A_295 = arith.constant 0 : i32
        %dma_start3A_296 = tpu.memref_slice %arg6[%dma_start3A_293, %dma_start3A_294, %dma_start3A_295] : memref<2x512x64xf32, #tpu.memory_space<vmem>> -> memref<1x512x64xf32, #tpu.memory_space<vmem>>
        %dma_start3A_297 = tpu.memref_squeeze %dma_start3A_296 : memref<1x512x64xf32, #tpu.memory_space<vmem>> -> memref<512x64xf32, #tpu.memory_space<vmem>>
        %dma_start3A_298 = arith.constant 128 : i32
        %dma_start3A_299 = arith.constant 0 : i32
        %dma_start3A_300 = tpu.memref_slice %dma_start3A_297[%dma_start3A_298, %dma_start3A_299] : memref<512x64xf32, #tpu.memory_space<vmem>> -> memref<128x64xf32, #tpu.memory_space<vmem>>
        %dma_start3A_301 = tpu.memref_slice %arg5[%add3A_292] : memref<25600xi32, #tpu.memory_space<vmem>> -> memref<128xi32, #tpu.memory_space<vmem>>
        %dma_start3A_302 = arith.constant 0 : i32
        %dma_start3A_303 = arith.constant 0 : i32
        %dma_start3A_304 = tpu.memref_slice %arg3[%dma_start3A_302, %dma_start3A_303] : memref<1000000x64xf32, #tpu.memory_space<hbm>> -> memref<1000000x64xf32, #tpu.memory_space<hbm>>
        tpu.enqueue_indirect_dma source(%dma_start3A_304 : memref<1000000x64xf32, #tpu.memory_space<hbm>>) target(%dma_start3A_300 : memref<128x64xf32, #tpu.memory_space<vmem>>) offsets(%dma_start3A_301 : memref<128xi32, #tpu.memory_space<vmem>>) semaphore(%arg7 : memref<!tpu.dma_semaphore, #tpu.memory_space<semaphore_mem>>)
        %mul3A_305 = arith.constant 512 : i32
        %mul3A_306 = arith.muli %add3A_272, %mul3A_305 : i32
        %add3A_307 = arith.constant 256 : i32
        %add3A_308 = arith.addi %mul3A_306, %add3A_307 : i32
        %dma_start3A_309 = arith.constant 1 : i32
        %dma_start3A_310 = arith.constant 0 : i32
        %dma_start3A_311 = arith.constant 0 : i32
        %dma_start3A_312 = tpu.memref_slice %arg6[%dma_start3A_309, %dma_start3A_310, %dma_start3A_311] : memref<2x512x64xf32, #tpu.memory_space<vmem>> -> memref<1x512x64xf32, #tpu.memory_space<vmem>>
        %dma_start3A_313 = tpu.memref_squeeze %dma_start3A_312 : memref<1x512x64xf32, #tpu.memory_space<vmem>> -> memref<512x64xf32, #tpu.memory_space<vmem>>
        %dma_start3A_314 = arith.constant 256 : i32
        %dma_start3A_315 = arith.constant 0 : i32
        %dma_start3A_316 = tpu.memref_slice %dma_start3A_313[%dma_start3A_314, %dma_start3A_315] : memref<512x64xf32, #tpu.memory_space<vmem>> -> memref<128x64xf32, #tpu.memory_space<vmem>>
        %dma_start3A_317 = tpu.memref_slice %arg5[%add3A_308] : memref<25600xi32, #tpu.memory_space<vmem>> -> memref<128xi32, #tpu.memory_space<vmem>>
        %dma_start3A_318 = arith.constant 0 : i32
        %dma_start3A_319 = arith.constant 0 : i32
        %dma_start3A_320 = tpu.memref_slice %arg3[%dma_start3A_318, %dma_start3A_319] : memref<1000000x64xf32, #tpu.memory_space<hbm>> -> memref<1000000x64xf32, #tpu.memory_space<hbm>>
        tpu.enqueue_indirect_dma source(%dma_start3A_320 : memref<1000000x64xf32, #tpu.memory_space<hbm>>) target(%dma_start3A_316 : memref<128x64xf32, #tpu.memory_space<vmem>>) offsets(%dma_start3A_317 : memref<128xi32, #tpu.memory_space<vmem>>) semaphore(%arg7 : memref<!tpu.dma_semaphore, #tpu.memory_space<semaphore_mem>>)
        %mul3A_321 = arith.constant 512 : i32
        %mul3A_322 = arith.muli %add3A_272, %mul3A_321 : i32
        %add3A_323 = arith.constant 384 : i32
        %add3A_324 = arith.addi %mul3A_322, %add3A_323 : i32
        %dma_start3A_325 = arith.constant 1 : i32
        %dma_start3A_326 = arith.constant 0 : i32
        %dma_start3A_327 = arith.constant 0 : i32
        %dma_start3A_328 = tpu.memref_slice %arg6[%dma_start3A_325, %dma_start3A_326, %dma_start3A_327] : memref<2x512x64xf32, #tpu.memory_space<vmem>> -> memref<1x512x64xf32, #tpu.memory_space<vmem>>
        %dma_start3A_329 = tpu.memref_squeeze %dma_start3A_328 : memref<1x512x64xf32, #tpu.memory_space<vmem>> -> memref<512x64xf32, #tpu.memory_space<vmem>>
        %dma_start3A_330 = arith.constant 384 : i32
        %dma_start3A_331 = arith.constant 0 : i32
        %dma_start3A_332 = tpu.memref_slice %dma_start3A_329[%dma_start3A_330, %dma_start3A_331] : memref<512x64xf32, #tpu.memory_space<vmem>> -> memref<128x64xf32, #tpu.memory_space<vmem>>
        %dma_start3A_333 = tpu.memref_slice %arg5[%add3A_324] : memref<25600xi32, #tpu.memory_space<vmem>> -> memref<128xi32, #tpu.memory_space<vmem>>
        %dma_start3A_334 = arith.constant 0 : i32
        %dma_start3A_335 = arith.constant 0 : i32
        %dma_start3A_336 = tpu.memref_slice %arg3[%dma_start3A_334, %dma_start3A_335] : memref<1000000x64xf32, #tpu.memory_space<hbm>> -> memref<1000000x64xf32, #tpu.memory_space<hbm>>
        tpu.enqueue_indirect_dma source(%dma_start3A_336 : memref<1000000x64xf32, #tpu.memory_space<hbm>>) target(%dma_start3A_332 : memref<128x64xf32, #tpu.memory_space<vmem>>) offsets(%dma_start3A_333 : memref<128xi32, #tpu.memory_space<vmem>>) semaphore(%arg7 : memref<!tpu.dma_semaphore, #tpu.memory_space<semaphore_mem>>)
      } else {
      }
      %mul3A_87 = arith.constant 512 : i32
      %mul3A_88 = arith.muli %add3A_78, %mul3A_87 : i32
      %add3A_89 = arith.constant 0 : i32
      %add3A_90 = arith.addi %mul3A_88, %add3A_89 : i32
      %dma_wait3A_91 = arith.constant 0 : i32
      %dma_wait3A_92 = arith.constant 0 : i32
      %dma_wait3A_93 = arith.constant 0 : i32
      %dma_wait3A_94 = tpu.memref_slice %arg6[%dma_wait3A_91, %dma_wait3A_92, %dma_wait3A_93] : memref<2x512x64xf32, #tpu.memory_space<vmem>> -> memref<1x512x64xf32, #tpu.memory_space<vmem>>
      %dma_wait3A_95 = tpu.memref_squeeze %dma_wait3A_94 : memref<1x512x64xf32, #tpu.memory_space<vmem>> -> memref<512x64xf32, #tpu.memory_space<vmem>>
      %dma_wait3A_96 = arith.constant 0 : i32
      %dma_wait3A_97 = arith.constant 0 : i32
      %dma_wait3A_98 = tpu.memref_slice %dma_wait3A_95[%dma_wait3A_96, %dma_wait3A_97] : memref<512x64xf32, #tpu.memory_space<vmem>> -> memref<128x64xf32, #tpu.memory_space<vmem>>
      %dma_wait3A_99 = tpu.memref_slice %arg5[%add3A_90] : memref<25600xi32, #tpu.memory_space<vmem>> -> memref<128xi32, #tpu.memory_space<vmem>>
      %dma_wait3A_100 = arith.constant 0 : i32
      %dma_wait3A_101 = arith.constant 0 : i32
      %dma_wait3A_102 = tpu.memref_slice %arg3[%dma_wait3A_100, %dma_wait3A_101] : memref<1000000x64xf32, #tpu.memory_space<hbm>> -> memref<1000000x64xf32, #tpu.memory_space<hbm>>
      tpu.wait_indirect_dma semaphore(%arg7 : memref<!tpu.dma_semaphore, #tpu.memory_space<semaphore_mem>>) src(%dma_wait3A_102 : memref<1000000x64xf32, #tpu.memory_space<hbm>>) dst(%dma_wait3A_98 : memref<128x64xf32, #tpu.memory_space<vmem>>)
      %mul3A_103 = arith.constant 512 : i32
      %mul3A_104 = arith.muli %add3A_78, %mul3A_103 : i32
      %add3A_105 = arith.constant 128 : i32
      %add3A_106 = arith.addi %mul3A_104, %add3A_105 : i32
      %dma_wait3A_107 = arith.constant 0 : i32
      %dma_wait3A_108 = arith.constant 0 : i32
      %dma_wait3A_109 = arith.constant 0 : i32
      %dma_wait3A_110 = tpu.memref_slice %arg6[%dma_wait3A_107, %dma_wait3A_108, %dma_wait3A_109] : memref<2x512x64xf32, #tpu.memory_space<vmem>> -> memref<1x512x64xf32, #tpu.memory_space<vmem>>
      %dma_wait3A_111 = tpu.memref_squeeze %dma_wait3A_110 : memref<1x512x64xf32, #tpu.memory_space<vmem>> -> memref<512x64xf32, #tpu.memory_space<vmem>>
      %dma_wait3A_112 = arith.constant 128 : i32
      %dma_wait3A_113 = arith.constant 0 : i32
      %dma_wait3A_114 = tpu.memref_slice %dma_wait3A_111[%dma_wait3A_112, %dma_wait3A_113] : memref<512x64xf32, #tpu.memory_space<vmem>> -> memref<128x64xf32, #tpu.memory_space<vmem>>
      %dma_wait3A_115 = tpu.memref_slice %arg5[%add3A_106] : memref<25600xi32, #tpu.memory_space<vmem>> -> memref<128xi32, #tpu.memory_space<vmem>>
      %dma_wait3A_116 = arith.constant 0 : i32
      %dma_wait3A_117 = arith.constant 0 : i32
      %dma_wait3A_118 = tpu.memref_slice %arg3[%dma_wait3A_116, %dma_wait3A_117] : memref<1000000x64xf32, #tpu.memory_space<hbm>> -> memref<1000000x64xf32, #tpu.memory_space<hbm>>
      tpu.wait_indirect_dma semaphore(%arg7 : memref<!tpu.dma_semaphore, #tpu.memory_space<semaphore_mem>>) src(%dma_wait3A_118 : memref<1000000x64xf32, #tpu.memory_space<hbm>>) dst(%dma_wait3A_114 : memref<128x64xf32, #tpu.memory_space<vmem>>)
      %mul3A_119 = arith.constant 512 : i32
      %mul3A_120 = arith.muli %add3A_78, %mul3A_119 : i32
      %add3A_121 = arith.constant 256 : i32
      %add3A_122 = arith.addi %mul3A_120, %add3A_121 : i32
      %dma_wait3A_123 = arith.constant 0 : i32
      %dma_wait3A_124 = arith.constant 0 : i32
      %dma_wait3A_125 = arith.constant 0 : i32
      %dma_wait3A_126 = tpu.memref_slice %arg6[%dma_wait3A_123, %dma_wait3A_124, %dma_wait3A_125] : memref<2x512x64xf32, #tpu.memory_space<vmem>> -> memref<1x512x64xf32, #tpu.memory_space<vmem>>
      %dma_wait3A_127 = tpu.memref_squeeze %dma_wait3A_126 : memref<1x512x64xf32, #tpu.memory_space<vmem>> -> memref<512x64xf32, #tpu.memory_space<vmem>>
      %dma_wait3A_128 = arith.constant 256 : i32
      %dma_wait3A_129 = arith.constant 0 : i32
      %dma_wait3A_130 = tpu.memref_slice %dma_wait3A_127[%dma_wait3A_128, %dma_wait3A_129] : memref<512x64xf32, #tpu.memory_space<vmem>> -> memref<128x64xf32, #tpu.memory_space<vmem>>
      %dma_wait3A_131 = tpu.memref_slice %arg5[%add3A_122] : memref<25600xi32, #tpu.memory_space<vmem>> -> memref<128xi32, #tpu.memory_space<vmem>>
      %dma_wait3A_132 = arith.constant 0 : i32
      %dma_wait3A_133 = arith.constant 0 : i32
      %dma_wait3A_134 = tpu.memref_slice %arg3[%dma_wait3A_132, %dma_wait3A_133] : memref<1000000x64xf32, #tpu.memory_space<hbm>> -> memref<1000000x64xf32, #tpu.memory_space<hbm>>
      tpu.wait_indirect_dma semaphore(%arg7 : memref<!tpu.dma_semaphore, #tpu.memory_space<semaphore_mem>>) src(%dma_wait3A_134 : memref<1000000x64xf32, #tpu.memory_space<hbm>>) dst(%dma_wait3A_130 : memref<128x64xf32, #tpu.memory_space<vmem>>)
      %mul3A_135 = arith.constant 512 : i32
      %mul3A_136 = arith.muli %add3A_78, %mul3A_135 : i32
      %add3A_137 = arith.constant 384 : i32
      %add3A_138 = arith.addi %mul3A_136, %add3A_137 : i32
      %dma_wait3A_139 = arith.constant 0 : i32
      %dma_wait3A_140 = arith.constant 0 : i32
      %dma_wait3A_141 = arith.constant 0 : i32
      %dma_wait3A_142 = tpu.memref_slice %arg6[%dma_wait3A_139, %dma_wait3A_140, %dma_wait3A_141] : memref<2x512x64xf32, #tpu.memory_space<vmem>> -> memref<1x512x64xf32, #tpu.memory_space<vmem>>
      %dma_wait3A_143 = tpu.memref_squeeze %dma_wait3A_142 : memref<1x512x64xf32, #tpu.memory_space<vmem>> -> memref<512x64xf32, #tpu.memory_space<vmem>>
      %dma_wait3A_144 = arith.constant 384 : i32
      %dma_wait3A_145 = arith.constant 0 : i32
      %dma_wait3A_146 = tpu.memref_slice %dma_wait3A_143[%dma_wait3A_144, %dma_wait3A_145] : memref<512x64xf32, #tpu.memory_space<vmem>> -> memref<128x64xf32, #tpu.memory_space<vmem>>
      %dma_wait3A_147 = tpu.memref_slice %arg5[%add3A_138] : memref<25600xi32, #tpu.memory_space<vmem>> -> memref<128xi32, #tpu.memory_space<vmem>>
      %dma_wait3A_148 = arith.constant 0 : i32
      %dma_wait3A_149 = arith.constant 0 : i32
      %dma_wait3A_150 = tpu.memref_slice %arg3[%dma_wait3A_148, %dma_wait3A_149] : memref<1000000x64xf32, #tpu.memory_space<hbm>> -> memref<1000000x64xf32, #tpu.memory_space<hbm>>
      tpu.wait_indirect_dma semaphore(%arg7 : memref<!tpu.dma_semaphore, #tpu.memory_space<semaphore_mem>>) src(%dma_wait3A_150 : memref<1000000x64xf32, #tpu.memory_space<hbm>>) dst(%dma_wait3A_146 : memref<128x64xf32, #tpu.memory_space<vmem>>)
      %scan3A_151 = arith.constant 0 : i32
      %scan3A_152 = arith.constant 512 : i32
      %scan3A_153 = arith.addi %scan3A_151, %scan3A_152 : i32
      %scan3A_154 = arith.constant 8 : i32
      scf.for %scan3A_271 = %scan3A_151 to %scan3A_153 step %scan3A_154  : i32 {
        %mul3A_272 = arith.constant 1 : i32
        %mul3A_273 = arith.muli %scan3A_271, %mul3A_272 : i32
        %add3A_274 = arith.constant 0 : i32
        %add3A_275 = arith.addi %add3A_274, %mul3A_273 : i32
        %get3A = arith.constant 0 : i32
        %get3A_276 = arith.index_cast %get3A : i32 to index
        %get3A_277 = arith.index_cast %add3A_275 : i32 to index
        %get3A_278 = arith.constant 0 : index
        %get3A_279 = tpu.vector_load %arg6[%get3A_276, %get3A_277, %get3A_278] {strides = array<i32>} : memref<2x512x64xf32, #tpu.memory_space<vmem>>, vector<1x1x16xf32>,
        %get3A_280 = vector.shape_cast %get3A_279 : vector<1x1x16xf32> to vector<16xf32>
        %mul3A_281 = arith.constant 8.000000e+00 : f32
        %mul3A_282 = vector.broadcast %mul3A_281 : f32 to vector<16xf32>
        %mul3A_283 = arith.mulf %get3A_280, %mul3A_282 : vector<16xf32>
        %swap3A = arith.constant 0 : i32
        %swap3A_284 = arith.index_cast %swap3A : i32 to index
        %swap3A_285 = arith.index_cast %add3A_275 : i32 to index
        %swap3A_286 = arith.constant 0 : index
        %swap3A_287 = tpu.vector_load %arg6[%swap3A_284, %swap3A_285, %swap3A_286] {strides = array<i32>} : memref<2x512x64xf32, #tpu.memory_space<vmem>>, vector<1x1x16xf32>,
        %swap3A_288 = vector.shape_cast %swap3A_287 : vector<1x1x16xf32> to vector<16xf32>
        %swap3A_289 = vector.shape_cast %mul3A_283 : vector<16xf32> to vector<1x1x16xf32>
        tpu.vector_store %arg6[%swap3A_284, %swap3A_285, %swap3A_286], %swap3A_289 {strides = array<i32>} : memref<2x512x64xf32, #tpu.memory_space<vmem>>, vector<1x1x16xf32>,
        %get3A_290 = arith.constant 0 : i32
        %get3A_291 = arith.index_cast %get3A_290 : i32 to index
        %get3A_292 = arith.index_cast %add3A_275 : i32 to index
        %get3A_293 = arith.constant 16 : index
        %get3A_294 = tpu.vector_load %arg6[%get3A_291, %get3A_292, %get3A_293] {strides = array<i32>} : memref<2x512x64xf32, #tpu.memory_space<vmem>>, vector<1x1x16xf32>,
        %get3A_295 = vector.shape_cast %get3A_294 : vector<1x1x16xf32> to vector<16xf32>
        %mul3A_296 = arith.constant 8.000000e+00 : f32
        %mul3A_297 = vector.broadcast %mul3A_296 : f32 to vector<16xf32>
        %mul3A_298 = arith.mulf %get3A_295, %mul3A_297 : vector<16xf32>
        %swap3A_299 = arith.constant 0 : i32
        %swap3A_300 = arith.index_cast %swap3A_299 : i32 to index
        %swap3A_301 = arith.index_cast %add3A_275 : i32 to index
        %swap3A_302 = arith.constant 16 : index
        %swap3A_303 = tpu.vector_load %arg6[%swap3A_300, %swap3A_301, %swap3A_302] {strides = array<i32>} : memref<2x512x64xf32, #tpu.memory_space<vmem>>, vector<1x1x16xf32>,
        %swap3A_304 = vector.shape_cast %swap3A_303 : vector<1x1x16xf32> to vector<16xf32>
        %swap3A_305 = vector.shape_cast %mul3A_298 : vector<16xf32> to vector<1x1x16xf32>
        tpu.vector_store %arg6[%swap3A_300, %swap3A_301, %swap3A_302], %swap3A_305 {strides = array<i32>} : memref<2x512x64xf32, #tpu.memory_space<vmem>>, vector<1x1x16xf32>,
        %get3A_306 = arith.constant 0 : i32
        %get3A_307 = arith.index_cast %get3A_306 : i32 to index
        %get3A_308 = arith.index_cast %add3A_275 : i32 to index
        %get3A_309 = arith.constant 32 : index
        %get3A_310 = tpu.vector_load %arg6[%get3A_307, %get3A_308, %get3A_309] {strides = array<i32>} : memref<2x512x64xf32, #tpu.memory_space<vmem>>, vector<1x1x16xf32>,
        %get3A_311 = vector.shape_cast %get3A_310 : vector<1x1x16xf32> to vector<16xf32>
        %mul3A_312 = arith.constant 8.000000e+00 : f32
        %mul3A_313 = vector.broadcast %mul3A_312 : f32 to vector<16xf32>
        %mul3A_314 = arith.mulf %get3A_311, %mul3A_313 : vector<16xf32>
        %swap3A_315 = arith.constant 0 : i32
        %swap3A_316 = arith.index_cast %swap3A_315 : i32 to index
        %swap3A_317 = arith.index_cast %add3A_275 : i32 to index
        %swap3A_318 = arith.constant 32 : index
        %swap3A_319 = tpu.vector_load %arg6[%swap3A_316, %swap3A_317, %swap3A_318] {strides = array<i32>} : memref<2x512x64xf32, #tpu.memory_space<vmem>>, vector<1x1x16xf32>,
        %swap3A_320 = vector.shape_cast %swap3A_319 : vector<1x1x16xf32> to vector<16xf32>
        %swap3A_321 = vector.shape_cast %mul3A_314 : vector<16xf32> to vector<1x1x16xf32>
        tpu.vector_store %arg6[%swap3A_316, %swap3A_317, %swap3A_318], %swap3A_321 {strides = array<i32>} : memref<2x512x64xf32, #tpu.memory_space<vmem>>, vector<1x1x16xf32>,
        %get3A_322 = arith.constant 0 : i32
        %get3A_323 = arith.index_cast %get3A_322 : i32 to index
        %get3A_324 = arith.index_cast %add3A_275 : i32 to index
        %get3A_325 = arith.constant 48 : index
        %get3A_326 = tpu.vector_load %arg6[%get3A_323, %get3A_324, %get3A_325] {strides = array<i32>} : memref<2x512x64xf32, #tpu.memory_space<vmem>>, vector<1x1x16xf32>,
        %get3A_327 = vector.shape_cast %get3A_326 : vector<1x1x16xf32> to vector<16xf32>
        %mul3A_328 = arith.constant 8.000000e+00 : f32
        %mul3A_329 = vector.broadcast %mul3A_328 : f32 to vector<16xf32>
        %mul3A_330 = arith.mulf %get3A_327, %mul3A_329 : vector<16xf32>
        %swap3A_331 = arith.constant 0 : i32
        %swap3A_332 = arith.index_cast %swap3A_331 : i32 to index
        %swap3A_333 = arith.index_cast %add3A_275 : i32 to index
        %swap3A_334 = arith.constant 48 : index
        %swap3A_335 = tpu.vector_load %arg6[%swap3A_332, %swap3A_333, %swap3A_334] {strides = array<i32>} : memref<2x512x64xf32, #tpu.memory_space<vmem>>, vector<1x1x16xf32>,
        %swap3A_336 = vector.shape_cast %swap3A_335 : vector<1x1x16xf32> to vector<16xf32>
        %swap3A_337 = vector.shape_cast %mul3A_330 : vector<16xf32> to vector<1x1x16xf32>
        tpu.vector_store %arg6[%swap3A_332, %swap3A_333, %swap3A_334], %swap3A_337 {strides = array<i32>} : memref<2x512x64xf32, #tpu.memory_space<vmem>>, vector<1x1x16xf32>,
        %scan3A_338 = arith.constant 1 : i32
        %scan3A_339 = arith.addi %scan3A_271, %scan3A_338 : i32
        %mul3A_340 = arith.constant 1 : i32
        %mul3A_341 = arith.muli %scan3A_339, %mul3A_340 : i32
        %add3A_342 = arith.constant 0 : i32
        %add3A_343 = arith.addi %add3A_342, %mul3A_341 : i32
        %get3A_344 = arith.constant 0 : i32
        %get3A_345 = arith.index_cast %get3A_344 : i32 to index
        %get3A_346 = arith.index_cast %add3A_343 : i32 to index
        %get3A_347 = arith.constant 0 : index
        %get3A_348 = tpu.vector_load %arg6[%get3A_345, %get3A_346, %get3A_347] {strides = array<i32>} : memref<2x512x64xf32, #tpu.memory_space<vmem>>, vector<1x1x16xf32>,
        %get3A_349 = vector.shape_cast %get3A_348 : vector<1x1x16xf32> to vector<16xf32>
        %mul3A_350 = arith.constant 8.000000e+00 : f32
        %mul3A_351 = vector.broadcast %mul3A_350 : f32 to vector<16xf32>
        %mul3A_352 = arith.mulf %get3A_349, %mul3A_351 : vector<16xf32>
        %swap3A_353 = arith.constant 0 : i32
        %swap3A_354 = arith.index_cast %swap3A_353 : i32 to index
        %swap3A_355 = arith.index_cast %add3A_343 : i32 to index
        %swap3A_356 = arith.constant 0 : index
        %swap3A_357 = tpu.vector_load %arg6[%swap3A_354, %swap3A_355, %swap3A_356] {strides = array<i32>} : memref<2x512x64xf32, #tpu.memory_space<vmem>>, vector<1x1x16xf32>,
        %swap3A_358 = vector.shape_cast %swap3A_357 : vector<1x1x16xf32> to vector<16xf32>
        %swap3A_359 = vector.shape_cast %mul3A_352 : vector<16xf32> to vector<1x1x16xf32>
        tpu.vector_store %arg6[%swap3A_354, %swap3A_355, %swap3A_356], %swap3A_359 {strides = array<i32>} : memref<2x512x64xf32, #tpu.memory_space<vmem>>, vector<1x1x16xf32>,
        %get3A_360 = arith.constant 0 : i32
        %get3A_361 = arith.index_cast %get3A_360 : i32 to index
        %get3A_362 = arith.index_cast %add3A_343 : i32 to index
        %get3A_363 = arith.constant 16 : index
        %get3A_364 = tpu.vector_load %arg6[%get3A_361, %get3A_362, %get3A_363] {strides = array<i32>} : memref<2x512x64xf32, #tpu.memory_space<vmem>>, vector<1x1x16xf32>,
        %get3A_365 = vector.shape_cast %get3A_364 : vector<1x1x16xf32> to vector<16xf32>
        %mul3A_366 = arith.constant 8.000000e+00 : f32
        %mul3A_367 = vector.broadcast %mul3A_366 : f32 to vector<16xf32>
        %mul3A_368 = arith.mulf %get3A_365, %mul3A_367 : vector<16xf32>
        %swap3A_369 = arith.constant 0 : i32
        %swap3A_370 = arith.index_cast %swap3A_369 : i32 to index
        %swap3A_371 = arith.index_cast %add3A_343 : i32 to index
        %swap3A_372 = arith.constant 16 : index
        %swap3A_373 = tpu.vector_load %arg6[%swap3A_370, %swap3A_371, %swap3A_372] {strides = array<i32>} : memref<2x512x64xf32, #tpu.memory_space<vmem>>, vector<1x1x16xf32>,
        %swap3A_374 = vector.shape_cast %swap3A_373 : vector<1x1x16xf32> to vector<16xf32>
        %swap3A_375 = vector.shape_cast %mul3A_368 : vector<16xf32> to vector<1x1x16xf32>
        tpu.vector_store %arg6[%swap3A_370, %swap3A_371, %swap3A_372], %swap3A_375 {strides = array<i32>} : memref<2x512x64xf32, #tpu.memory_space<vmem>>, vector<1x1x16xf32>,
        %get3A_376 = arith.constant 0 : i32
        %get3A_377 = arith.index_cast %get3A_376 : i32 to index
        %get3A_378 = arith.index_cast %add3A_343 : i32 to index
        %get3A_379 = arith.constant 32 : index
        %get3A_380 = tpu.vector_load %arg6[%get3A_377, %get3A_378, %get3A_379] {strides = array<i32>} : memref<2x512x64xf32, #tpu.memory_space<vmem>>, vector<1x1x16xf32>,
        %get3A_381 = vector.shape_cast %get3A_380 : vector<1x1x16xf32> to vector<16xf32>
        %mul3A_382 = arith.constant 8.000000e+00 : f32
        %mul3A_383 = vector.broadcast %mul3A_382 : f32 to vector<16xf32>
        %mul3A_384 = arith.mulf %get3A_381, %mul3A_383 : vector<16xf32>
        %swap3A_385 = arith.constant 0 : i32
        %swap3A_386 = arith.index_cast %swap3A_385 : i32 to index
        %swap3A_387 = arith.index_cast %add3A_343 : i32 to index
        %swap3A_388 = arith.constant 32 : index
        %swap3A_389 = tpu.vector_load %arg6[%swap3A_386, %swap3A_387, %swap3A_388] {strides = array<i32>} : memref<2x512x64xf32, #tpu.memory_space<vmem>>, vector<1x1x16xf32>,
        %swap3A_390 = vector.shape_cast %swap3A_389 : vector<1x1x16xf32> to vector<16xf32>
        %swap3A_391 = vector.shape_cast %mul3A_384 : vector<16xf32> to vector<1x1x16xf32>
        tpu.vector_store %arg6[%swap3A_386, %swap3A_387, %swap3A_388], %swap3A_391 {strides = array<i32>} : memref<2x512x64xf32, #tpu.memory_space<vmem>>, vector<1x1x16xf32>,
        %get3A_392 = arith.constant 0 : i32
        %get3A_393 = arith.index_cast %get3A_392 : i32 to index
        %get3A_394 = arith.index_cast %add3A_343 : i32 to index
        %get3A_395 = arith.constant 48 : index
        %get3A_396 = tpu.vector_load %arg6[%get3A_393, %get3A_394, %get3A_395] {strides = array<i32>} : memref<2x512x64xf32, #tpu.memory_space<vmem>>, vector<1x1x16xf32>,
        %get3A_397 = vector.shape_cast %get3A_396 : vector<1x1x16xf32> to vector<16xf32>
        %mul3A_398 = arith.constant 8.000000e+00 : f32
        %mul3A_399 = vector.broadcast %mul3A_398 : f32 to vector<16xf32>
        %mul3A_400 = arith.mulf %get3A_397, %mul3A_399 : vector<16xf32>
        %swap3A_401 = arith.constant 0 : i32
        %swap3A_402 = arith.index_cast %swap3A_401 : i32 to index
        %swap3A_403 = arith.index_cast %add3A_343 : i32 to index
        %swap3A_404 = arith.constant 48 : index
        %swap3A_405 = tpu.vector_load %arg6[%swap3A_402, %swap3A_403, %swap3A_404] {strides = array<i32>} : memref<2x512x64xf32, #tpu.memory_space<vmem>>, vector<1x1x16xf32>,
        %swap3A_406 = vector.shape_cast %swap3A_405 : vector<1x1x16xf32> to vector<16xf32>
        %swap3A_407 = vector.shape_cast %mul3A_400 : vector<16xf32> to vector<1x1x16xf32>
        tpu.vector_store %arg6[%swap3A_402, %swap3A_403, %swap3A_404], %swap3A_407 {strides = array<i32>} : memref<2x512x64xf32, #tpu.memory_space<vmem>>, vector<1x1x16xf32>,
        %scan3A_408 = arith.constant 2 : i32
        %scan3A_409 = arith.addi %scan3A_271, %scan3A_408 : i32
        %mul3A_410 = arith.constant 1 : i32
        %mul3A_411 = arith.muli %scan3A_409, %mul3A_410 : i32
        %add3A_412 = arith.constant 0 : i32
        %add3A_413 = arith.addi %add3A_412, %mul3A_411 : i32
        %get3A_414 = arith.constant 0 : i32
        %get3A_415 = arith.index_cast %get3A_414 : i32 to index
        %get3A_416 = arith.index_cast %add3A_413 : i32 to index
        %get3A_417 = arith.constant 0 : index
        %get3A_418 = tpu.vector_load %arg6[%get3A_415, %get3A_416, %get3A_417] {strides = array<i32>} : memref<2x512x64xf32, #tpu.memory_space<vmem>>, vector<1x1x16xf32>,
        %get3A_419 = vector.shape_cast %get3A_418 : vector<1x1x16xf32> to vector<16xf32>
        %mul3A_420 = arith.constant 8.000000e+00 : f32
        %mul3A_421 = vector.broadcast %mul3A_420 : f32 to vector<16xf32>
        %mul3A_422 = arith.mulf %get3A_419, %mul3A_421 : vector<16xf32>
        %swap3A_423 = arith.constant 0 : i32
        %swap3A_424 = arith.index_cast %swap3A_423 : i32 to index
        %swap3A_425 = arith.index_cast %add3A_413 : i32 to index
        %swap3A_426 = arith.constant 0 : index
        %swap3A_427 = tpu.vector_load %arg6[%swap3A_424, %swap3A_425, %swap3A_426] {strides = array<i32>} : memref<2x512x64xf32, #tpu.memory_space<vmem>>, vector<1x1x16xf32>,
        %swap3A_428 = vector.shape_cast %swap3A_427 : vector<1x1x16xf32> to vector<16xf32>
        %swap3A_429 = vector.shape_cast %mul3A_422 : vector<16xf32> to vector<1x1x16xf32>
        tpu.vector_store %arg6[%swap3A_424, %swap3A_425, %swap3A_426], %swap3A_429 {strides = array<i32>} : memref<2x512x64xf32, #tpu.memory_space<vmem>>, vector<1x1x16xf32>,
        %get3A_430 = arith.constant 0 : i32
        %get3A_431 = arith.index_cast %get3A_430 : i32 to index
        %get3A_432 = arith.index_cast %add3A_413 : i32 to index
        %get3A_433 = arith.constant 16 : index
        %get3A_434 = tpu.vector_load %arg6[%get3A_431, %get3A_432, %get3A_433] {strides = array<i32>} : memref<2x512x64xf32, #tpu.memory_space<vmem>>, vector<1x1x16xf32>,
        %get3A_435 = vector.shape_cast %get3A_434 : vector<1x1x16xf32> to vector<16xf32>
        %mul3A_436 = arith.constant 8.000000e+00 : f32
        %mul3A_437 = vector.broadcast %mul3A_436 : f32 to vector<16xf32>
        %mul3A_438 = arith.mulf %get3A_435, %mul3A_437 : vector<16xf32>
        %swap3A_439 = arith.constant 0 : i32
        %swap3A_440 = arith.index_cast %swap3A_439 : i32 to index
        %swap3A_441 = arith.index_cast %add3A_413 : i32 to index
        %swap3A_442 = arith.constant 16 : index
        %swap3A_443 = tpu.vector_load %arg6[%swap3A_440, %swap3A_441, %swap3A_442] {strides = array<i32>} : memref<2x512x64xf32, #tpu.memory_space<vmem>>, vector<1x1x16xf32>,
        %swap3A_444 = vector.shape_cast %swap3A_443 : vector<1x1x16xf32> to vector<16xf32>
        %swap3A_445 = vector.shape_cast %mul3A_438 : vector<16xf32> to vector<1x1x16xf32>
        tpu.vector_store %arg6[%swap3A_440, %swap3A_441, %swap3A_442], %swap3A_445 {strides = array<i32>} : memref<2x512x64xf32, #tpu.memory_space<vmem>>, vector<1x1x16xf32>,
        %get3A_446 = arith.constant 0 : i32
        %get3A_447 = arith.index_cast %get3A_446 : i32 to index
        %get3A_448 = arith.index_cast %add3A_413 : i32 to index
        %get3A_449 = arith.constant 32 : index
        %get3A_450 = tpu.vector_load %arg6[%get3A_447, %get3A_448, %get3A_449] {strides = array<i32>} : memref<2x512x64xf32, #tpu.memory_space<vmem>>, vector<1x1x16xf32>,
        %get3A_451 = vector.shape_cast %get3A_450 : vector<1x1x16xf32> to vector<16xf32>
        %mul3A_452 = arith.constant 8.000000e+00 : f32
        %mul3A_453 = vector.broadcast %mul3A_452 : f32 to vector<16xf32>
        %mul3A_454 = arith.mulf %get3A_451, %mul3A_453 : vector<16xf32>
        %swap3A_455 = arith.constant 0 : i32
        %swap3A_456 = arith.index_cast %swap3A_455 : i32 to index
        %swap3A_457 = arith.index_cast %add3A_413 : i32 to index
        %swap3A_458 = arith.constant 32 : index
        %swap3A_459 = tpu.vector_load %arg6[%swap3A_456, %swap3A_457, %swap3A_458] {strides = array<i32>} : memref<2x512x64xf32, #tpu.memory_space<vmem>>, vector<1x1x16xf32>,
        %swap3A_460 = vector.shape_cast %swap3A_459 : vector<1x1x16xf32> to vector<16xf32>
        %swap3A_461 = vector.shape_cast %mul3A_454 : vector<16xf32> to vector<1x1x16xf32>
        tpu.vector_store %arg6[%swap3A_456, %swap3A_457, %swap3A_458], %swap3A_461 {strides = array<i32>} : memref<2x512x64xf32, #tpu.memory_space<vmem>>, vector<1x1x16xf32>,
        %get3A_462 = arith.constant 0 : i32
        %get3A_463 = arith.index_cast %get3A_462 : i32 to index
        %get3A_464 = arith.index_cast %add3A_413 : i32 to index
        %get3A_465 = arith.constant 48 : index
        %get3A_466 = tpu.vector_load %arg6[%get3A_463, %get3A_464, %get3A_465] {strides = array<i32>} : memref<2x512x64xf32, #tpu.memory_space<vmem>>, vector<1x1x16xf32>,
        %get3A_467 = vector.shape_cast %get3A_466 : vector<1x1x16xf32> to vector<16xf32>
        %mul3A_468 = arith.constant 8.000000e+00 : f32
        %mul3A_469 = vector.broadcast %mul3A_468 : f32 to vector<16xf32>
        %mul3A_470 = arith.mulf %get3A_467, %mul3A_469 : vector<16xf32>
        %swap3A_471 = arith.constant 0 : i32
        %swap3A_472 = arith.index_cast %swap3A_471 : i32 to index
        %swap3A_473 = arith.index_cast %add3A_413 : i32 to index
        %swap3A_474 = arith.constant 48 : index
        %swap3A_475 = tpu.vector_load %arg6[%swap3A_472, %swap3A_473, %swap3A_474] {strides = array<i32>} : memref<2x512x64xf32, #tpu.memory_space<vmem>>, vector<1x1x16xf32>,
        %swap3A_476 = vector.shape_cast %swap3A_475 : vector<1x1x16xf32> to vector<16xf32>
        %swap3A_477 = vector.shape_cast %mul3A_470 : vector<16xf32> to vector<1x1x16xf32>
        tpu.vector_store %arg6[%swap3A_472, %swap3A_473, %swap3A_474], %swap3A_477 {strides = array<i32>} : memref<2x512x64xf32, #tpu.memory_space<vmem>>, vector<1x1x16xf32>,
        %scan3A_478 = arith.constant 3 : i32
        %scan3A_479 = arith.addi %scan3A_271, %scan3A_478 : i32
        %mul3A_480 = arith.constant 1 : i32
        %mul3A_481 = arith.muli %scan3A_479, %mul3A_480 : i32
        %add3A_482 = arith.constant 0 : i32
        %add3A_483 = arith.addi %add3A_482, %mul3A_481 : i32
        %get3A_484 = arith.constant 0 : i32
        %get3A_485 = arith.index_cast %get3A_484 : i32 to index
        %get3A_486 = arith.index_cast %add3A_483 : i32 to index
        %get3A_487 = arith.constant 0 : index
        %get3A_488 = tpu.vector_load %arg6[%get3A_485, %get3A_486, %get3A_487] {strides = array<i32>} : memref<2x512x64xf32, #tpu.memory_space<vmem>>, vector<1x1x16xf32>,
        %get3A_489 = vector.shape_cast %get3A_488 : vector<1x1x16xf32> to vector<16xf32>
        %mul3A_490 = arith.constant 8.000000e+00 : f32
        %mul3A_491 = vector.broadcast %mul3A_490 : f32 to vector<16xf32>
        %mul3A_492 = arith.mulf %get3A_489, %mul3A_491 : vector<16xf32>
        %swap3A_493 = arith.constant 0 : i32
        %swap3A_494 = arith.index_cast %swap3A_493 : i32 to index
        %swap3A_495 = arith.index_cast %add3A_483 : i32 to index
        %swap3A_496 = arith.constant 0 : index
        %swap3A_497 = tpu.vector_load %arg6[%swap3A_494, %swap3A_495, %swap3A_496] {strides = array<i32>} : memref<2x512x64xf32, #tpu.memory_space<vmem>>, vector<1x1x16xf32>,
        %swap3A_498 = vector.shape_cast %swap3A_497 : vector<1x1x16xf32> to vector<16xf32>
        %swap3A_499 = vector.shape_cast %mul3A_492 : vector<16xf32> to vector<1x1x16xf32>
        tpu.vector_store %arg6[%swap3A_494, %swap3A_495, %swap3A_496], %swap3A_499 {strides = array<i32>} : memref<2x512x64xf32, #tpu.memory_space<vmem>>, vector<1x1x16xf32>,
        %get3A_500 = arith.constant 0 : i32
        %get3A_501 = arith.index_cast %get3A_500 : i32 to index
        %get3A_502 = arith.index_cast %add3A_483 : i32 to index
        %get3A_503 = arith.constant 16 : index
        %get3A_504 = tpu.vector_load %arg6[%get3A_501, %get3A_502, %get3A_503] {strides = array<i32>} : memref<2x512x64xf32, #tpu.memory_space<vmem>>, vector<1x1x16xf32>,
        %get3A_505 = vector.shape_cast %get3A_504 : vector<1x1x16xf32> to vector<16xf32>
        %mul3A_506 = arith.constant 8.000000e+00 : f32
        %mul3A_507 = vector.broadcast %mul3A_506 : f32 to vector<16xf32>
        %mul3A_508 = arith.mulf %get3A_505, %mul3A_507 : vector<16xf32>
        %swap3A_509 = arith.constant 0 : i32
        %swap3A_510 = arith.index_cast %swap3A_509 : i32 to index
        %swap3A_511 = arith.index_cast %add3A_483 : i32 to index
        %swap3A_512 = arith.constant 16 : index
        %swap3A_513 = tpu.vector_load %arg6[%swap3A_510, %swap3A_511, %swap3A_512] {strides = array<i32>} : memref<2x512x64xf32, #tpu.memory_space<vmem>>, vector<1x1x16xf32>,
        %swap3A_514 = vector.shape_cast %swap3A_513 : vector<1x1x16xf32> to vector<16xf32>
        %swap3A_515 = vector.shape_cast %mul3A_508 : vector<16xf32> to vector<1x1x16xf32>
        tpu.vector_store %arg6[%swap3A_510, %swap3A_511, %swap3A_512], %swap3A_515 {strides = array<i32>} : memref<2x512x64xf32, #tpu.memory_space<vmem>>, vector<1x1x16xf32>,
        %get3A_516 = arith.constant 0 : i32
        %get3A_517 = arith.index_cast %get3A_516 : i32 to index
        %get3A_518 = arith.index_cast %add3A_483 : i32 to index
        %get3A_519 = arith.constant 32 : index
        %get3A_520 = tpu.vector_load %arg6[%get3A_517, %get3A_518, %get3A_519] {strides = array<i32>} : memref<2x512x64xf32, #tpu.memory_space<vmem>>, vector<1x1x16xf32>,
        %get3A_521 = vector.shape_cast %get3A_520 : vector<1x1x16xf32> to vector<16xf32>
        %mul3A_522 = arith.constant 8.000000e+00 : f32
        %mul3A_523 = vector.broadcast %mul3A_522 : f32 to vector<16xf32>
        %mul3A_524 = arith.mulf %get3A_521, %mul3A_523 : vector<16xf32>
        %swap3A_525 = arith.constant 0 : i32
        %swap3A_526 = arith.index_cast %swap3A_525 : i32 to index
        %swap3A_527 = arith.index_cast %add3A_483 : i32 to index
        %swap3A_528 = arith.constant 32 : index
        %swap3A_529 = tpu.vector_load %arg6[%swap3A_526, %swap3A_527, %swap3A_528] {strides = array<i32>} : memref<2x512x64xf32, #tpu.memory_space<vmem>>, vector<1x1x16xf32>,
        %swap3A_530 = vector.shape_cast %swap3A_529 : vector<1x1x16xf32> to vector<16xf32>
        %swap3A_531 = vector.shape_cast %mul3A_524 : vector<16xf32> to vector<1x1x16xf32>
        tpu.vector_store %arg6[%swap3A_526, %swap3A_527, %swap3A_528], %swap3A_531 {strides = array<i32>} : memref<2x512x64xf32, #tpu.memory_space<vmem>>, vector<1x1x16xf32>,
        %get3A_532 = arith.constant 0 : i32
        %get3A_533 = arith.index_cast %get3A_532 : i32 to index
        %get3A_534 = arith.index_cast %add3A_483 : i32 to index
        %get3A_535 = arith.constant 48 : index
        %get3A_536 = tpu.vector_load %arg6[%get3A_533, %get3A_534, %get3A_535] {strides = array<i32>} : memref<2x512x64xf32, #tpu.memory_space<vmem>>, vector<1x1x16xf32>,
        %get3A_537 = vector.shape_cast %get3A_536 : vector<1x1x16xf32> to vector<16xf32>
        %mul3A_538 = arith.constant 8.000000e+00 : f32
        %mul3A_539 = vector.broadcast %mul3A_538 : f32 to vector<16xf32>
        %mul3A_540 = arith.mulf %get3A_537, %mul3A_539 : vector<16xf32>
        %swap3A_541 = arith.constant 0 : i32
        %swap3A_542 = arith.index_cast %swap3A_541 : i32 to index
        %swap3A_543 = arith.index_cast %add3A_483 : i32 to index
        %swap3A_544 = arith.constant 48 : index
        %swap3A_545 = tpu.vector_load %arg6[%swap3A_542, %swap3A_543, %swap3A_544] {strides = array<i32>} : memref<2x512x64xf32, #tpu.memory_space<vmem>>, vector<1x1x16xf32>,
        %swap3A_546 = vector.shape_cast %swap3A_545 : vector<1x1x16xf32> to vector<16xf32>
        %swap3A_547 = vector.shape_cast %mul3A_540 : vector<16xf32> to vector<1x1x16xf32>
        tpu.vector_store %arg6[%swap3A_542, %swap3A_543, %swap3A_544], %swap3A_547 {strides = array<i32>} : memref<2x512x64xf32, #tpu.memory_space<vmem>>, vector<1x1x16xf32>,
        %scan3A_548 = arith.constant 4 : i32
        %scan3A_549 = arith.addi %scan3A_271, %scan3A_548 : i32
        %mul3A_550 = arith.constant 1 : i32
        %mul3A_551 = arith.muli %scan3A_549, %mul3A_550 : i32
        %add3A_552 = arith.constant 0 : i32
        %add3A_553 = arith.addi %add3A_552, %mul3A_551 : i32
        %get3A_554 = arith.constant 0 : i32
        %get3A_555 = arith.index_cast %get3A_554 : i32 to index
        %get3A_556 = arith.index_cast %add3A_553 : i32 to index
        %get3A_557 = arith.constant 0 : index
        %get3A_558 = tpu.vector_load %arg6[%get3A_555, %get3A_556, %get3A_557] {strides = array<i32>} : memref<2x512x64xf32, #tpu.memory_space<vmem>>, vector<1x1x16xf32>,
        %get3A_559 = vector.shape_cast %get3A_558 : vector<1x1x16xf32> to vector<16xf32>
        %mul3A_560 = arith.constant 8.000000e+00 : f32
        %mul3A_561 = vector.broadcast %mul3A_560 : f32 to vector<16xf32>
        %mul3A_562 = arith.mulf %get3A_559, %mul3A_561 : vector<16xf32>
        %swap3A_563 = arith.constant 0 : i32
        %swap3A_564 = arith.index_cast %swap3A_563 : i32 to index
        %swap3A_565 = arith.index_cast %add3A_553 : i32 to index
        %swap3A_566 = arith.constant 0 : index
        %swap3A_567 = tpu.vector_load %arg6[%swap3A_564, %swap3A_565, %swap3A_566] {strides = array<i32>} : memref<2x512x64xf32, #tpu.memory_space<vmem>>, vector<1x1x16xf32>,
        %swap3A_568 = vector.shape_cast %swap3A_567 : vector<1x1x16xf32> to vector<16xf32>
        %swap3A_569 = vector.shape_cast %mul3A_562 : vector<16xf32> to vector<1x1x16xf32>
        tpu.vector_store %arg6[%swap3A_564, %swap3A_565, %swap3A_566], %swap3A_569 {strides = array<i32>} : memref<2x512x64xf32, #tpu.memory_space<vmem>>, vector<1x1x16xf32>,
        %get3A_570 = arith.constant 0 : i32
        %get3A_571 = arith.index_cast %get3A_570 : i32 to index
        %get3A_572 = arith.index_cast %add3A_553 : i32 to index
        %get3A_573 = arith.constant 16 : index
        %get3A_574 = tpu.vector_load %arg6[%get3A_571, %get3A_572, %get3A_573] {strides = array<i32>} : memref<2x512x64xf32, #tpu.memory_space<vmem>>, vector<1x1x16xf32>,
        %get3A_575 = vector.shape_cast %get3A_574 : vector<1x1x16xf32> to vector<16xf32>
        %mul3A_576 = arith.constant 8.000000e+00 : f32
        %mul3A_577 = vector.broadcast %mul3A_576 : f32 to vector<16xf32>
        %mul3A_578 = arith.mulf %get3A_575, %mul3A_577 : vector<16xf32>
        %swap3A_579 = arith.constant 0 : i32
        %swap3A_580 = arith.index_cast %swap3A_579 : i32 to index
        %swap3A_581 = arith.index_cast %add3A_553 : i32 to index
        %swap3A_582 = arith.constant 16 : index
        %swap3A_583 = tpu.vector_load %arg6[%swap3A_580, %swap3A_581, %swap3A_582] {strides = array<i32>} : memref<2x512x64xf32, #tpu.memory_space<vmem>>, vector<1x1x16xf32>,
        %swap3A_584 = vector.shape_cast %swap3A_583 : vector<1x1x16xf32> to vector<16xf32>
        %swap3A_585 = vector.shape_cast %mul3A_578 : vector<16xf32> to vector<1x1x16xf32>
        tpu.vector_store %arg6[%swap3A_580, %swap3A_581, %swap3A_582], %swap3A_585 {strides = array<i32>} : memref<2x512x64xf32, #tpu.memory_space<vmem>>, vector<1x1x16xf32>,
        %get3A_586 = arith.constant 0 : i32
        %get3A_587 = arith.index_cast %get3A_586 : i32 to index
        %get3A_588 = arith.index_cast %add3A_553 : i32 to index
        %get3A_589 = arith.constant 32 : index
        %get3A_590 = tpu.vector_load %arg6[%get3A_587, %get3A_588, %get3A_589] {strides = array<i32>} : memref<2x512x64xf32, #tpu.memory_space<vmem>>, vector<1x1x16xf32>,
        %get3A_591 = vector.shape_cast %get3A_590 : vector<1x1x16xf32> to vector<16xf32>
        %mul3A_592 = arith.constant 8.000000e+00 : f32
        %mul3A_593 = vector.broadcast %mul3A_592 : f32 to vector<16xf32>
        %mul3A_594 = arith.mulf %get3A_591, %mul3A_593 : vector<16xf32>
        %swap3A_595 = arith.constant 0 : i32
        %swap3A_596 = arith.index_cast %swap3A_595 : i32 to index
        %swap3A_597 = arith.index_cast %add3A_553 : i32 to index
        %swap3A_598 = arith.constant 32 : index
        %swap3A_599 = tpu.vector_load %arg6[%swap3A_596, %swap3A_597, %swap3A_598] {strides = array<i32>} : memref<2x512x64xf32, #tpu.memory_space<vmem>>, vector<1x1x16xf32>,
        %swap3A_600 = vector.shape_cast %swap3A_599 : vector<1x1x16xf32> to vector<16xf32>
        %swap3A_601 = vector.shape_cast %mul3A_594 : vector<16xf32> to vector<1x1x16xf32>
        tpu.vector_store %arg6[%swap3A_596, %swap3A_597, %swap3A_598], %swap3A_601 {strides = array<i32>} : memref<2x512x64xf32, #tpu.memory_space<vmem>>, vector<1x1x16xf32>,
        %get3A_602 = arith.constant 0 : i32
        %get3A_603 = arith.index_cast %get3A_602 : i32 to index
        %get3A_604 = arith.index_cast %add3A_553 : i32 to index
        %get3A_605 = arith.constant 48 : index
        %get3A_606 = tpu.vector_load %arg6[%get3A_603, %get3A_604, %get3A_605] {strides = array<i32>} : memref<2x512x64xf32, #tpu.memory_space<vmem>>, vector<1x1x16xf32>,
        %get3A_607 = vector.shape_cast %get3A_606 : vector<1x1x16xf32> to vector<16xf32>
        %mul3A_608 = arith.constant 8.000000e+00 : f32
        %mul3A_609 = vector.broadcast %mul3A_608 : f32 to vector<16xf32>
        %mul3A_610 = arith.mulf %get3A_607, %mul3A_609 : vector<16xf32>
        %swap3A_611 = arith.constant 0 : i32
        %swap3A_612 = arith.index_cast %swap3A_611 : i32 to index
        %swap3A_613 = arith.index_cast %add3A_553 : i32 to index
        %swap3A_614 = arith.constant 48 : index
        %swap3A_615 = tpu.vector_load %arg6[%swap3A_612, %swap3A_613, %swap3A_614] {strides = array<i32>} : memref<2x512x64xf32, #tpu.memory_space<vmem>>, vector<1x1x16xf32>,
        %swap3A_616 = vector.shape_cast %swap3A_615 : vector<1x1x16xf32> to vector<16xf32>
        %swap3A_617 = vector.shape_cast %mul3A_610 : vector<16xf32> to vector<1x1x16xf32>
        tpu.vector_store %arg6[%swap3A_612, %swap3A_613, %swap3A_614], %swap3A_617 {strides = array<i32>} : memref<2x512x64xf32, #tpu.memory_space<vmem>>, vector<1x1x16xf32>,
        %scan3A_618 = arith.constant 5 : i32
        %scan3A_619 = arith.addi %scan3A_271, %scan3A_618 : i32
        %mul3A_620 = arith.constant 1 : i32
        %mul3A_621 = arith.muli %scan3A_619, %mul3A_620 : i32
        %add3A_622 = arith.constant 0 : i32
        %add3A_623 = arith.addi %add3A_622, %mul3A_621 : i32
        %get3A_624 = arith.constant 0 : i32
        %get3A_625 = arith.index_cast %get3A_624 : i32 to index
        %get3A_626 = arith.index_cast %add3A_623 : i32 to index
        %get3A_627 = arith.constant 0 : index
        %get3A_628 = tpu.vector_load %arg6[%get3A_625, %get3A_626, %get3A_627] {strides = array<i32>} : memref<2x512x64xf32, #tpu.memory_space<vmem>>, vector<1x1x16xf32>,
        %get3A_629 = vector.shape_cast %get3A_628 : vector<1x1x16xf32> to vector<16xf32>
        %mul3A_630 = arith.constant 8.000000e+00 : f32
        %mul3A_631 = vector.broadcast %mul3A_630 : f32 to vector<16xf32>
        %mul3A_632 = arith.mulf %get3A_629, %mul3A_631 : vector<16xf32>
        %swap3A_633 = arith.constant 0 : i32
        %swap3A_634 = arith.index_cast %swap3A_633 : i32 to index
        %swap3A_635 = arith.index_cast %add3A_623 : i32 to index
        %swap3A_636 = arith.constant 0 : index
        %swap3A_637 = tpu.vector_load %arg6[%swap3A_634, %swap3A_635, %swap3A_636] {strides = array<i32>} : memref<2x512x64xf32, #tpu.memory_space<vmem>>, vector<1x1x16xf32>,
        %swap3A_638 = vector.shape_cast %swap3A_637 : vector<1x1x16xf32> to vector<16xf32>
        %swap3A_639 = vector.shape_cast %mul3A_632 : vector<16xf32> to vector<1x1x16xf32>
        tpu.vector_store %arg6[%swap3A_634, %swap3A_635, %swap3A_636], %swap3A_639 {strides = array<i32>} : memref<2x512x64xf32, #tpu.memory_space<vmem>>, vector<1x1x16xf32>,
        %get3A_640 = arith.constant 0 : i32
        %get3A_641 = arith.index_cast %get3A_640 : i32 to index
        %get3A_642 = arith.index_cast %add3A_623 : i32 to index
        %get3A_643 = arith.constant 16 : index
        %get3A_644 = tpu.vector_load %arg6[%get3A_641, %get3A_642, %get3A_643] {strides = array<i32>} : memref<2x512x64xf32, #tpu.memory_space<vmem>>, vector<1x1x16xf32>,
        %get3A_645 = vector.shape_cast %get3A_644 : vector<1x1x16xf32> to vector<16xf32>
        %mul3A_646 = arith.constant 8.000000e+00 : f32
        %mul3A_647 = vector.broadcast %mul3A_646 : f32 to vector<16xf32>
        %mul3A_648 = arith.mulf %get3A_645, %mul3A_647 : vector<16xf32>
        %swap3A_649 = arith.constant 0 : i32
        %swap3A_650 = arith.index_cast %swap3A_649 : i32 to index
        %swap3A_651 = arith.index_cast %add3A_623 : i32 to index
        %swap3A_652 = arith.constant 16 : index
        %swap3A_653 = tpu.vector_load %arg6[%swap3A_650, %swap3A_651, %swap3A_652] {strides = array<i32>} : memref<2x512x64xf32, #tpu.memory_space<vmem>>, vector<1x1x16xf32>,
        %swap3A_654 = vector.shape_cast %swap3A_653 : vector<1x1x16xf32> to vector<16xf32>
        %swap3A_655 = vector.shape_cast %mul3A_648 : vector<16xf32> to vector<1x1x16xf32>
        tpu.vector_store %arg6[%swap3A_650, %swap3A_651, %swap3A_652], %swap3A_655 {strides = array<i32>} : memref<2x512x64xf32, #tpu.memory_space<vmem>>, vector<1x1x16xf32>,
        %get3A_656 = arith.constant 0 : i32
        %get3A_657 = arith.index_cast %get3A_656 : i32 to index
        %get3A_658 = arith.index_cast %add3A_623 : i32 to index
        %get3A_659 = arith.constant 32 : index
        %get3A_660 = tpu.vector_load %arg6[%get3A_657, %get3A_658, %get3A_659] {strides = array<i32>} : memref<2x512x64xf32, #tpu.memory_space<vmem>>, vector<1x1x16xf32>,
        %get3A_661 = vector.shape_cast %get3A_660 : vector<1x1x16xf32> to vector<16xf32>
        %mul3A_662 = arith.constant 8.000000e+00 : f32
        %mul3A_663 = vector.broadcast %mul3A_662 : f32 to vector<16xf32>
        %mul3A_664 = arith.mulf %get3A_661, %mul3A_663 : vector<16xf32>
        %swap3A_665 = arith.constant 0 : i32
        %swap3A_666 = arith.index_cast %swap3A_665 : i32 to index
        %swap3A_667 = arith.index_cast %add3A_623 : i32 to index
        %swap3A_668 = arith.constant 32 : index
        %swap3A_669 = tpu.vector_load %arg6[%swap3A_666, %swap3A_667, %swap3A_668] {strides = array<i32>} : memref<2x512x64xf32, #tpu.memory_space<vmem>>, vector<1x1x16xf32>,
        %swap3A_670 = vector.shape_cast %swap3A_669 : vector<1x1x16xf32> to vector<16xf32>
        %swap3A_671 = vector.shape_cast %mul3A_664 : vector<16xf32> to vector<1x1x16xf32>
        tpu.vector_store %arg6[%swap3A_666, %swap3A_667, %swap3A_668], %swap3A_671 {strides = array<i32>} : memref<2x512x64xf32, #tpu.memory_space<vmem>>, vector<1x1x16xf32>,
        %get3A_672 = arith.constant 0 : i32
        %get3A_673 = arith.index_cast %get3A_672 : i32 to index
        %get3A_674 = arith.index_cast %add3A_623 : i32 to index
        %get3A_675 = arith.constant 48 : index
        %get3A_676 = tpu.vector_load %arg6[%get3A_673, %get3A_674, %get3A_675] {strides = array<i32>} : memref<2x512x64xf32, #tpu.memory_space<vmem>>, vector<1x1x16xf32>,
        %get3A_677 = vector.shape_cast %get3A_676 : vector<1x1x16xf32> to vector<16xf32>
        %mul3A_678 = arith.constant 8.000000e+00 : f32
        %mul3A_679 = vector.broadcast %mul3A_678 : f32 to vector<16xf32>
        %mul3A_680 = arith.mulf %get3A_677, %mul3A_679 : vector<16xf32>
        %swap3A_681 = arith.constant 0 : i32
        %swap3A_682 = arith.index_cast %swap3A_681 : i32 to index
        %swap3A_683 = arith.index_cast %add3A_623 : i32 to index
        %swap3A_684 = arith.constant 48 : index
        %swap3A_685 = tpu.vector_load %arg6[%swap3A_682, %swap3A_683, %swap3A_684] {strides = array<i32>} : memref<2x512x64xf32, #tpu.memory_space<vmem>>, vector<1x1x16xf32>,
        %swap3A_686 = vector.shape_cast %swap3A_685 : vector<1x1x16xf32> to vector<16xf32>
        %swap3A_687 = vector.shape_cast %mul3A_680 : vector<16xf32> to vector<1x1x16xf32>
        tpu.vector_store %arg6[%swap3A_682, %swap3A_683, %swap3A_684], %swap3A_687 {strides = array<i32>} : memref<2x512x64xf32, #tpu.memory_space<vmem>>, vector<1x1x16xf32>,
        %scan3A_688 = arith.constant 6 : i32
        %scan3A_689 = arith.addi %scan3A_271, %scan3A_688 : i32
        %mul3A_690 = arith.constant 1 : i32
        %mul3A_691 = arith.muli %scan3A_689, %mul3A_690 : i32
        %add3A_692 = arith.constant 0 : i32
        %add3A_693 = arith.addi %add3A_692, %mul3A_691 : i32
        %get3A_694 = arith.constant 0 : i32
        %get3A_695 = arith.index_cast %get3A_694 : i32 to index
        %get3A_696 = arith.index_cast %add3A_693 : i32 to index
        %get3A_697 = arith.constant 0 : index
        %get3A_698 = tpu.vector_load %arg6[%get3A_695, %get3A_696, %get3A_697] {strides = array<i32>} : memref<2x512x64xf32, #tpu.memory_space<vmem>>, vector<1x1x16xf32>,
        %get3A_699 = vector.shape_cast %get3A_698 : vector<1x1x16xf32> to vector<16xf32>
        %mul3A_700 = arith.constant 8.000000e+00 : f32
        %mul3A_701 = vector.broadcast %mul3A_700 : f32 to vector<16xf32>
        %mul3A_702 = arith.mulf %get3A_699, %mul3A_701 : vector<16xf32>
        %swap3A_703 = arith.constant 0 : i32
        %swap3A_704 = arith.index_cast %swap3A_703 : i32 to index
        %swap3A_705 = arith.index_cast %add3A_693 : i32 to index
        %swap3A_706 = arith.constant 0 : index
        %swap3A_707 = tpu.vector_load %arg6[%swap3A_704, %swap3A_705, %swap3A_706] {strides = array<i32>} : memref<2x512x64xf32, #tpu.memory_space<vmem>>, vector<1x1x16xf32>,
        %swap3A_708 = vector.shape_cast %swap3A_707 : vector<1x1x16xf32> to vector<16xf32>
        %swap3A_709 = vector.shape_cast %mul3A_702 : vector<16xf32> to vector<1x1x16xf32>
        tpu.vector_store %arg6[%swap3A_704, %swap3A_705, %swap3A_706], %swap3A_709 {strides = array<i32>} : memref<2x512x64xf32, #tpu.memory_space<vmem>>, vector<1x1x16xf32>,
        %get3A_710 = arith.constant 0 : i32
        %get3A_711 = arith.index_cast %get3A_710 : i32 to index
        %get3A_712 = arith.index_cast %add3A_693 : i32 to index
        %get3A_713 = arith.constant 16 : index
        %get3A_714 = tpu.vector_load %arg6[%get3A_711, %get3A_712, %get3A_713] {strides = array<i32>} : memref<2x512x64xf32, #tpu.memory_space<vmem>>, vector<1x1x16xf32>,
        %get3A_715 = vector.shape_cast %get3A_714 : vector<1x1x16xf32> to vector<16xf32>
        %mul3A_716 = arith.constant 8.000000e+00 : f32
        %mul3A_717 = vector.broadcast %mul3A_716 : f32 to vector<16xf32>
        %mul3A_718 = arith.mulf %get3A_715, %mul3A_717 : vector<16xf32>
        %swap3A_719 = arith.constant 0 : i32
        %swap3A_720 = arith.index_cast %swap3A_719 : i32 to index
        %swap3A_721 = arith.index_cast %add3A_693 : i32 to index
        %swap3A_722 = arith.constant 16 : index
        %swap3A_723 = tpu.vector_load %arg6[%swap3A_720, %swap3A_721, %swap3A_722] {strides = array<i32>} : memref<2x512x64xf32, #tpu.memory_space<vmem>>, vector<1x1x16xf32>,
        %swap3A_724 = vector.shape_cast %swap3A_723 : vector<1x1x16xf32> to vector<16xf32>
        %swap3A_725 = vector.shape_cast %mul3A_718 : vector<16xf32> to vector<1x1x16xf32>
        tpu.vector_store %arg6[%swap3A_720, %swap3A_721, %swap3A_722], %swap3A_725 {strides = array<i32>} : memref<2x512x64xf32, #tpu.memory_space<vmem>>, vector<1x1x16xf32>,
        %get3A_726 = arith.constant 0 : i32
        %get3A_727 = arith.index_cast %get3A_726 : i32 to index
        %get3A_728 = arith.index_cast %add3A_693 : i32 to index
        %get3A_729 = arith.constant 32 : index
        %get3A_730 = tpu.vector_load %arg6[%get3A_727, %get3A_728, %get3A_729] {strides = array<i32>} : memref<2x512x64xf32, #tpu.memory_space<vmem>>, vector<1x1x16xf32>,
        %get3A_731 = vector.shape_cast %get3A_730 : vector<1x1x16xf32> to vector<16xf32>
        %mul3A_732 = arith.constant 8.000000e+00 : f32
        %mul3A_733 = vector.broadcast %mul3A_732 : f32 to vector<16xf32>
        %mul3A_734 = arith.mulf %get3A_731, %mul3A_733 : vector<16xf32>
        %swap3A_735 = arith.constant 0 : i32
        %swap3A_736 = arith.index_cast %swap3A_735 : i32 to index
        %swap3A_737 = arith.index_cast %add3A_693 : i32 to index
        %swap3A_738 = arith.constant 32 : index
        %swap3A_739 = tpu.vector_load %arg6[%swap3A_736, %swap3A_737, %swap3A_738] {strides = array<i32>} : memref<2x512x64xf32, #tpu.memory_space<vmem>>, vector<1x1x16xf32>,
        %swap3A_740 = vector.shape_cast %swap3A_739 : vector<1x1x16xf32> to vector<16xf32>
        %swap3A_741 = vector.shape_cast %mul3A_734 : vector<16xf32> to vector<1x1x16xf32>
        tpu.vector_store %arg6[%swap3A_736, %swap3A_737, %swap3A_738], %swap3A_741 {strides = array<i32>} : memref<2x512x64xf32, #tpu.memory_space<vmem>>, vector<1x1x16xf32>,
        %get3A_742 = arith.constant 0 : i32
        %get3A_743 = arith.index_cast %get3A_742 : i32 to index
        %get3A_744 = arith.index_cast %add3A_693 : i32 to index
        %get3A_745 = arith.constant 48 : index
        %get3A_746 = tpu.vector_load %arg6[%get3A_743, %get3A_744, %get3A_745] {strides = array<i32>} : memref<2x512x64xf32, #tpu.memory_space<vmem>>, vector<1x1x16xf32>,
        %get3A_747 = vector.shape_cast %get3A_746 : vector<1x1x16xf32> to vector<16xf32>
        %mul3A_748 = arith.constant 8.000000e+00 : f32
        %mul3A_749 = vector.broadcast %mul3A_748 : f32 to vector<16xf32>
        %mul3A_750 = arith.mulf %get3A_747, %mul3A_749 : vector<16xf32>
        %swap3A_751 = arith.constant 0 : i32
        %swap3A_752 = arith.index_cast %swap3A_751 : i32 to index
        %swap3A_753 = arith.index_cast %add3A_693 : i32 to index
        %swap3A_754 = arith.constant 48 : index
        %swap3A_755 = tpu.vector_load %arg6[%swap3A_752, %swap3A_753, %swap3A_754] {strides = array<i32>} : memref<2x512x64xf32, #tpu.memory_space<vmem>>, vector<1x1x16xf32>,
        %swap3A_756 = vector.shape_cast %swap3A_755 : vector<1x1x16xf32> to vector<16xf32>
        %swap3A_757 = vector.shape_cast %mul3A_750 : vector<16xf32> to vector<1x1x16xf32>
        tpu.vector_store %arg6[%swap3A_752, %swap3A_753, %swap3A_754], %swap3A_757 {strides = array<i32>} : memref<2x512x64xf32, #tpu.memory_space<vmem>>, vector<1x1x16xf32>,
        %scan3A_758 = arith.constant 7 : i32
        %scan3A_759 = arith.addi %scan3A_271, %scan3A_758 : i32
        %mul3A_760 = arith.constant 1 : i32
        %mul3A_761 = arith.muli %scan3A_759, %mul3A_760 : i32
        %add3A_762 = arith.constant 0 : i32
        %add3A_763 = arith.addi %add3A_762, %mul3A_761 : i32
        %get3A_764 = arith.constant 0 : i32
        %get3A_765 = arith.index_cast %get3A_764 : i32 to index
        %get3A_766 = arith.index_cast %add3A_763 : i32 to index
        %get3A_767 = arith.constant 0 : index
        %get3A_768 = tpu.vector_load %arg6[%get3A_765, %get3A_766, %get3A_767] {strides = array<i32>} : memref<2x512x64xf32, #tpu.memory_space<vmem>>, vector<1x1x16xf32>,
        %get3A_769 = vector.shape_cast %get3A_768 : vector<1x1x16xf32> to vector<16xf32>
        %mul3A_770 = arith.constant 8.000000e+00 : f32
        %mul3A_771 = vector.broadcast %mul3A_770 : f32 to vector<16xf32>
        %mul3A_772 = arith.mulf %get3A_769, %mul3A_771 : vector<16xf32>
        %swap3A_773 = arith.constant 0 : i32
        %swap3A_774 = arith.index_cast %swap3A_773 : i32 to index
        %swap3A_775 = arith.index_cast %add3A_763 : i32 to index
        %swap3A_776 = arith.constant 0 : index
        %swap3A_777 = tpu.vector_load %arg6[%swap3A_774, %swap3A_775, %swap3A_776] {strides = array<i32>} : memref<2x512x64xf32, #tpu.memory_space<vmem>>, vector<1x1x16xf32>,
        %swap3A_778 = vector.shape_cast %swap3A_777 : vector<1x1x16xf32> to vector<16xf32>
        %swap3A_779 = vector.shape_cast %mul3A_772 : vector<16xf32> to vector<1x1x16xf32>
        tpu.vector_store %arg6[%swap3A_774, %swap3A_775, %swap3A_776], %swap3A_779 {strides = array<i32>} : memref<2x512x64xf32, #tpu.memory_space<vmem>>, vector<1x1x16xf32>,
        %get3A_780 = arith.constant 0 : i32
        %get3A_781 = arith.index_cast %get3A_780 : i32 to index
        %get3A_782 = arith.index_cast %add3A_763 : i32 to index
        %get3A_783 = arith.constant 16 : index
        %get3A_784 = tpu.vector_load %arg6[%get3A_781, %get3A_782, %get3A_783] {strides = array<i32>} : memref<2x512x64xf32, #tpu.memory_space<vmem>>, vector<1x1x16xf32>,
        %get3A_785 = vector.shape_cast %get3A_784 : vector<1x1x16xf32> to vector<16xf32>
        %mul3A_786 = arith.constant 8.000000e+00 : f32
        %mul3A_787 = vector.broadcast %mul3A_786 : f32 to vector<16xf32>
        %mul3A_788 = arith.mulf %get3A_785, %mul3A_787 : vector<16xf32>
        %swap3A_789 = arith.constant 0 : i32
        %swap3A_790 = arith.index_cast %swap3A_789 : i32 to index
        %swap3A_791 = arith.index_cast %add3A_763 : i32 to index
        %swap3A_792 = arith.constant 16 : index
        %swap3A_793 = tpu.vector_load %arg6[%swap3A_790, %swap3A_791, %swap3A_792] {strides = array<i32>} : memref<2x512x64xf32, #tpu.memory_space<vmem>>, vector<1x1x16xf32>,
        %swap3A_794 = vector.shape_cast %swap3A_793 : vector<1x1x16xf32> to vector<16xf32>
        %swap3A_795 = vector.shape_cast %mul3A_788 : vector<16xf32> to vector<1x1x16xf32>
        tpu.vector_store %arg6[%swap3A_790, %swap3A_791, %swap3A_792], %swap3A_795 {strides = array<i32>} : memref<2x512x64xf32, #tpu.memory_space<vmem>>, vector<1x1x16xf32>,
        %get3A_796 = arith.constant 0 : i32
        %get3A_797 = arith.index_cast %get3A_796 : i32 to index
        %get3A_798 = arith.index_cast %add3A_763 : i32 to index
        %get3A_799 = arith.constant 32 : index
        %get3A_800 = tpu.vector_load %arg6[%get3A_797, %get3A_798, %get3A_799] {strides = array<i32>} : memref<2x512x64xf32, #tpu.memory_space<vmem>>, vector<1x1x16xf32>,
        %get3A_801 = vector.shape_cast %get3A_800 : vector<1x1x16xf32> to vector<16xf32>
        %mul3A_802 = arith.constant 8.000000e+00 : f32
        %mul3A_803 = vector.broadcast %mul3A_802 : f32 to vector<16xf32>
        %mul3A_804 = arith.mulf %get3A_801, %mul3A_803 : vector<16xf32>
        %swap3A_805 = arith.constant 0 : i32
        %swap3A_806 = arith.index_cast %swap3A_805 : i32 to index
        %swap3A_807 = arith.index_cast %add3A_763 : i32 to index
        %swap3A_808 = arith.constant 32 : index
        %swap3A_809 = tpu.vector_load %arg6[%swap3A_806, %swap3A_807, %swap3A_808] {strides = array<i32>} : memref<2x512x64xf32, #tpu.memory_space<vmem>>, vector<1x1x16xf32>,
        %swap3A_810 = vector.shape_cast %swap3A_809 : vector<1x1x16xf32> to vector<16xf32>
        %swap3A_811 = vector.shape_cast %mul3A_804 : vector<16xf32> to vector<1x1x16xf32>
        tpu.vector_store %arg6[%swap3A_806, %swap3A_807, %swap3A_808], %swap3A_811 {strides = array<i32>} : memref<2x512x64xf32, #tpu.memory_space<vmem>>, vector<1x1x16xf32>,
        %get3A_812 = arith.constant 0 : i32
        %get3A_813 = arith.index_cast %get3A_812 : i32 to index
        %get3A_814 = arith.index_cast %add3A_763 : i32 to index
        %get3A_815 = arith.constant 48 : index
        %get3A_816 = tpu.vector_load %arg6[%get3A_813, %get3A_814, %get3A_815] {strides = array<i32>} : memref<2x512x64xf32, #tpu.memory_space<vmem>>, vector<1x1x16xf32>,
        %get3A_817 = vector.shape_cast %get3A_816 : vector<1x1x16xf32> to vector<16xf32>
        %mul3A_818 = arith.constant 8.000000e+00 : f32
        %mul3A_819 = vector.broadcast %mul3A_818 : f32 to vector<16xf32>
        %mul3A_820 = arith.mulf %get3A_817, %mul3A_819 : vector<16xf32>
        %swap3A_821 = arith.constant 0 : i32
        %swap3A_822 = arith.index_cast %swap3A_821 : i32 to index
        %swap3A_823 = arith.index_cast %add3A_763 : i32 to index
        %swap3A_824 = arith.constant 48 : index
        %swap3A_825 = tpu.vector_load %arg6[%swap3A_822, %swap3A_823, %swap3A_824] {strides = array<i32>} : memref<2x512x64xf32, #tpu.memory_space<vmem>>, vector<1x1x16xf32>,
        %swap3A_826 = vector.shape_cast %swap3A_825 : vector<1x1x16xf32> to vector<16xf32>
        %swap3A_827 = vector.shape_cast %mul3A_820 : vector<16xf32> to vector<1x1x16xf32>
        tpu.vector_store %arg6[%swap3A_822, %swap3A_823, %swap3A_824], %swap3A_827 {strides = array<i32>} : memref<2x512x64xf32, #tpu.memory_space<vmem>>, vector<1x1x16xf32>,
      }
      %scan3A_155 = arith.constant 512 : i32
      %mul3A_156 = arith.constant 512 : i32
      %mul3A_157 = arith.muli %add3A_78, %mul3A_156 : i32
      %add3A_158 = arith.addi %mul3A_2, %mul3A_157 : i32
      %dma_start3A_159 = arith.constant 0 : i32
      %dma_start3A_160 = arith.constant 0 : i32
      %dma_start3A_161 = arith.constant 0 : i32
      %dma_start3A_162 = tpu.memref_slice %arg6[%dma_start3A_159, %dma_start3A_160, %dma_start3A_161] : memref<2x512x64xf32, #tpu.memory_space<vmem>> -> memref<1x512x64xf32, #tpu.memory_space<vmem>>
      %dma_start3A_163 = tpu.memref_squeeze %dma_start3A_162 : memref<1x512x64xf32, #tpu.memory_space<vmem>> -> memref<512x64xf32, #tpu.memory_space<vmem>>
      %dma_start3A_164 = arith.constant 0 : i32
      %dma_start3A_165 = tpu.memref_slice %arg4[%add3A_158, %dma_start3A_164] : memref<819200x64xf32, #tpu.memory_space<hbm>> -> memref<512x64xf32, #tpu.memory_space<hbm>>
      %dma_start3A_166 = arith.constant 0 : i32
      %dma_start3A_167 = tpu.memref_slice %arg4[%add3A_158, %dma_start3A_166] : memref<819200x64xf32, #tpu.memory_space<hbm>> -> memref<512x64xf32, #tpu.memory_space<hbm>>
      %dma_start3A_168 = arith.constant 0 : i32
      %dma_start3A_169 = arith.constant 0 : i32
      %dma_start3A_170 = tpu.memref_slice %arg6[%dma_start3A_159, %dma_start3A_168, %dma_start3A_169] : memref<2x512x64xf32, #tpu.memory_space<vmem>> -> memref<1x512x64xf32, #tpu.memory_space<vmem>>
      %dma_start3A_171 = tpu.memref_squeeze %dma_start3A_170 : memref<1x512x64xf32, #tpu.memory_space<vmem>> -> memref<512x64xf32, #tpu.memory_space<vmem>>
      tpu.enqueue_dma source(%dma_start3A_171 : memref<512x64xf32, #tpu.memory_space<vmem>>) target(%dma_start3A_167 : memref<512x64xf32, #tpu.memory_space<hbm>>) target_semaphore(%arg8 : memref<!tpu.dma_semaphore, #tpu.memory_space<semaphore_mem>>)
      %add3A_172 = arith.constant 1 : i32
      %add3A_173 = arith.addi %add3A_76, %add3A_172 : i32
      %ge3A_174 = arith.constant 1 : i32
      %ge3A_175 = arith.cmpi sge, %add3A_173, %ge3A_174 : i32
      %convert_element_type3A_176 = arith.extui %ge3A_175 : i1 to i32
      %cond3A_177 = arith.constant 0 : i32
      %cond3A_178 = arith.cmpi ne, %convert_element_type3A_176, %cond3A_177 : i32
      scf.if %cond3A_178 {
        %sub3A = arith.constant 1 : i32
        %sub3A_271 = arith.subi %add3A_173, %sub3A : i32
        %mul3A_272 = arith.constant 512 : i32
        %mul3A_273 = arith.muli %sub3A_271, %mul3A_272 : i32
        %add3A_274 = arith.addi %mul3A_2, %mul3A_273 : i32
        %dma_wait3A_275 = arith.constant 0 : i32
        %dma_wait3A_276 = arith.constant 0 : i32
        %dma_wait3A_277 = arith.constant 0 : i32
        %dma_wait3A_278 = tpu.memref_slice %arg6[%dma_wait3A_275, %dma_wait3A_276, %dma_wait3A_277] : memref<2x512x64xf32, #tpu.memory_space<vmem>> -> memref<1x512x64xf32, #tpu.memory_space<vmem>>
        %dma_wait3A_279 = tpu.memref_squeeze %dma_wait3A_278 : memref<1x512x64xf32, #tpu.memory_space<vmem>> -> memref<512x64xf32, #tpu.memory_space<vmem>>
        %dma_wait3A_280 = arith.constant 0 : i32
        %dma_wait3A_281 = tpu.memref_slice %arg4[%add3A_274, %dma_wait3A_280] : memref<819200x64xf32, #tpu.memory_space<hbm>> -> memref<512x64xf32, #tpu.memory_space<hbm>>
        %dma_wait3A_282 = arith.constant 0 : i32
        %dma_wait3A_283 = tpu.memref_slice %arg4[%add3A_274, %dma_wait3A_282] : memref<819200x64xf32, #tpu.memory_space<hbm>> -> memref<512x64xf32, #tpu.memory_space<hbm>>
        %dma_wait3A_284 = arith.constant 0 : i32
        %dma_wait3A_285 = arith.constant 0 : i32
        %dma_wait3A_286 = tpu.memref_slice %arg6[%dma_wait3A_275, %dma_wait3A_284, %dma_wait3A_285] : memref<2x512x64xf32, #tpu.memory_space<vmem>> -> memref<1x512x64xf32, #tpu.memory_space<vmem>>
        %dma_wait3A_287 = tpu.memref_squeeze %dma_wait3A_286 : memref<1x512x64xf32, #tpu.memory_space<vmem>> -> memref<512x64xf32, #tpu.memory_space<vmem>>
        tpu.wait_dma2 semaphore(%arg8 : memref<!tpu.dma_semaphore, #tpu.memory_space<semaphore_mem>>) src(%dma_wait3A_287 : memref<512x64xf32, #tpu.memory_space<vmem>>) dst(%dma_wait3A_283 : memref<512x64xf32, #tpu.memory_space<hbm>>)
      } else {
      }
      %add3A_179 = arith.constant 1 : i32
      %add3A_180 = arith.addi %add3A_173, %add3A_179 : i32
      %lt3A_181 = arith.constant 50 : i32
      %lt3A_182 = arith.cmpi slt, %add3A_180, %lt3A_181 : i32
      %convert_element_type3A_183 = arith.extui %lt3A_182 : i1 to i32
      %cond3A_184 = arith.constant 0 : i32
      %cond3A_185 = arith.cmpi ne, %convert_element_type3A_183, %cond3A_184 : i32
      scf.if %cond3A_185 {
        %add3A_271 = arith.constant 1 : i32
        %add3A_272 = arith.addi %add3A_173, %add3A_271 : i32
        %mul3A_273 = arith.constant 512 : i32
        %mul3A_274 = arith.muli %add3A_272, %mul3A_273 : i32
        %add3A_275 = arith.constant 0 : i32
        %add3A_276 = arith.addi %mul3A_274, %add3A_275 : i32
        %dma_start3A_277 = arith.constant 0 : i32
        %dma_start3A_278 = arith.constant 0 : i32
        %dma_start3A_279 = arith.constant 0 : i32
        %dma_start3A_280 = tpu.memref_slice %arg6[%dma_start3A_277, %dma_start3A_278, %dma_start3A_279] : memref<2x512x64xf32, #tpu.memory_space<vmem>> -> memref<1x512x64xf32, #tpu.memory_space<vmem>>
        %dma_start3A_281 = tpu.memref_squeeze %dma_start3A_280 : memref<1x512x64xf32, #tpu.memory_space<vmem>> -> memref<512x64xf32, #tpu.memory_space<vmem>>
        %dma_start3A_282 = arith.constant 0 : i32
        %dma_start3A_283 = arith.constant 0 : i32
        %dma_start3A_284 = tpu.memref_slice %dma_start3A_281[%dma_start3A_282, %dma_start3A_283] : memref<512x64xf32, #tpu.memory_space<vmem>> -> memref<128x64xf32, #tpu.memory_space<vmem>>
        %dma_start3A_285 = tpu.memref_slice %arg5[%add3A_276] : memref<25600xi32, #tpu.memory_space<vmem>> -> memref<128xi32, #tpu.memory_space<vmem>>
        %dma_start3A_286 = arith.constant 0 : i32
        %dma_start3A_287 = arith.constant 0 : i32
        %dma_start3A_288 = tpu.memref_slice %arg3[%dma_start3A_286, %dma_start3A_287] : memref<1000000x64xf32, #tpu.memory_space<hbm>> -> memref<1000000x64xf32, #tpu.memory_space<hbm>>
        tpu.enqueue_indirect_dma source(%dma_start3A_288 : memref<1000000x64xf32, #tpu.memory_space<hbm>>) target(%dma_start3A_284 : memref<128x64xf32, #tpu.memory_space<vmem>>) offsets(%dma_start3A_285 : memref<128xi32, #tpu.memory_space<vmem>>) semaphore(%arg7 : memref<!tpu.dma_semaphore, #tpu.memory_space<semaphore_mem>>)
        %mul3A_289 = arith.constant 512 : i32
        %mul3A_290 = arith.muli %add3A_272, %mul3A_289 : i32
        %add3A_291 = arith.constant 128 : i32
        %add3A_292 = arith.addi %mul3A_290, %add3A_291 : i32
        %dma_start3A_293 = arith.constant 0 : i32
        %dma_start3A_294 = arith.constant 0 : i32
        %dma_start3A_295 = arith.constant 0 : i32
        %dma_start3A_296 = tpu.memref_slice %arg6[%dma_start3A_293, %dma_start3A_294, %dma_start3A_295] : memref<2x512x64xf32, #tpu.memory_space<vmem>> -> memref<1x512x64xf32, #tpu.memory_space<vmem>>
        %dma_start3A_297 = tpu.memref_squeeze %dma_start3A_296 : memref<1x512x64xf32, #tpu.memory_space<vmem>> -> memref<512x64xf32, #tpu.memory_space<vmem>>
        %dma_start3A_298 = arith.constant 128 : i32
        %dma_start3A_299 = arith.constant 0 : i32
        %dma_start3A_300 = tpu.memref_slice %dma_start3A_297[%dma_start3A_298, %dma_start3A_299] : memref<512x64xf32, #tpu.memory_space<vmem>> -> memref<128x64xf32, #tpu.memory_space<vmem>>
        %dma_start3A_301 = tpu.memref_slice %arg5[%add3A_292] : memref<25600xi32, #tpu.memory_space<vmem>> -> memref<128xi32, #tpu.memory_space<vmem>>
        %dma_start3A_302 = arith.constant 0 : i32
        %dma_start3A_303 = arith.constant 0 : i32
        %dma_start3A_304 = tpu.memref_slice %arg3[%dma_start3A_302, %dma_start3A_303] : memref<1000000x64xf32, #tpu.memory_space<hbm>> -> memref<1000000x64xf32, #tpu.memory_space<hbm>>
        tpu.enqueue_indirect_dma source(%dma_start3A_304 : memref<1000000x64xf32, #tpu.memory_space<hbm>>) target(%dma_start3A_300 : memref<128x64xf32, #tpu.memory_space<vmem>>) offsets(%dma_start3A_301 : memref<128xi32, #tpu.memory_space<vmem>>) semaphore(%arg7 : memref<!tpu.dma_semaphore, #tpu.memory_space<semaphore_mem>>)
        %mul3A_305 = arith.constant 512 : i32
        %mul3A_306 = arith.muli %add3A_272, %mul3A_305 : i32
        %add3A_307 = arith.constant 256 : i32
        %add3A_308 = arith.addi %mul3A_306, %add3A_307 : i32
        %dma_start3A_309 = arith.constant 0 : i32
        %dma_start3A_310 = arith.constant 0 : i32
        %dma_start3A_311 = arith.constant 0 : i32
        %dma_start3A_312 = tpu.memref_slice %arg6[%dma_start3A_309, %dma_start3A_310, %dma_start3A_311] : memref<2x512x64xf32, #tpu.memory_space<vmem>> -> memref<1x512x64xf32, #tpu.memory_space<vmem>>
        %dma_start3A_313 = tpu.memref_squeeze %dma_start3A_312 : memref<1x512x64xf32, #tpu.memory_space<vmem>> -> memref<512x64xf32, #tpu.memory_space<vmem>>
        %dma_start3A_314 = arith.constant 256 : i32
        %dma_start3A_315 = arith.constant 0 : i32
        %dma_start3A_316 = tpu.memref_slice %dma_start3A_313[%dma_start3A_314, %dma_start3A_315] : memref<512x64xf32, #tpu.memory_space<vmem>> -> memref<128x64xf32, #tpu.memory_space<vmem>>
        %dma_start3A_317 = tpu.memref_slice %arg5[%add3A_308] : memref<25600xi32, #tpu.memory_space<vmem>> -> memref<128xi32, #tpu.memory_space<vmem>>
        %dma_start3A_318 = arith.constant 0 : i32
        %dma_start3A_319 = arith.constant 0 : i32
        %dma_start3A_320 = tpu.memref_slice %arg3[%dma_start3A_318, %dma_start3A_319] : memref<1000000x64xf32, #tpu.memory_space<hbm>> -> memref<1000000x64xf32, #tpu.memory_space<hbm>>
        tpu.enqueue_indirect_dma source(%dma_start3A_320 : memref<1000000x64xf32, #tpu.memory_space<hbm>>) target(%dma_start3A_316 : memref<128x64xf32, #tpu.memory_space<vmem>>) offsets(%dma_start3A_317 : memref<128xi32, #tpu.memory_space<vmem>>) semaphore(%arg7 : memref<!tpu.dma_semaphore, #tpu.memory_space<semaphore_mem>>)
        %mul3A_321 = arith.constant 512 : i32
        %mul3A_322 = arith.muli %add3A_272, %mul3A_321 : i32
        %add3A_323 = arith.constant 384 : i32
        %add3A_324 = arith.addi %mul3A_322, %add3A_323 : i32
        %dma_start3A_325 = arith.constant 0 : i32
        %dma_start3A_326 = arith.constant 0 : i32
        %dma_start3A_327 = arith.constant 0 : i32
        %dma_start3A_328 = tpu.memref_slice %arg6[%dma_start3A_325, %dma_start3A_326, %dma_start3A_327] : memref<2x512x64xf32, #tpu.memory_space<vmem>> -> memref<1x512x64xf32, #tpu.memory_space<vmem>>
        %dma_start3A_329 = tpu.memref_squeeze %dma_start3A_328 : memref<1x512x64xf32, #tpu.memory_space<vmem>> -> memref<512x64xf32, #tpu.memory_space<vmem>>
        %dma_start3A_330 = arith.constant 384 : i32
        %dma_start3A_331 = arith.constant 0 : i32
        %dma_start3A_332 = tpu.memref_slice %dma_start3A_329[%dma_start3A_330, %dma_start3A_331] : memref<512x64xf32, #tpu.memory_space<vmem>> -> memref<128x64xf32, #tpu.memory_space<vmem>>
        %dma_start3A_333 = tpu.memref_slice %arg5[%add3A_324] : memref<25600xi32, #tpu.memory_space<vmem>> -> memref<128xi32, #tpu.memory_space<vmem>>
        %dma_start3A_334 = arith.constant 0 : i32
        %dma_start3A_335 = arith.constant 0 : i32
        %dma_start3A_336 = tpu.memref_slice %arg3[%dma_start3A_334, %dma_start3A_335] : memref<1000000x64xf32, #tpu.memory_space<hbm>> -> memref<1000000x64xf32, #tpu.memory_space<hbm>>
        tpu.enqueue_indirect_dma source(%dma_start3A_336 : memref<1000000x64xf32, #tpu.memory_space<hbm>>) target(%dma_start3A_332 : memref<128x64xf32, #tpu.memory_space<vmem>>) offsets(%dma_start3A_333 : memref<128xi32, #tpu.memory_space<vmem>>) semaphore(%arg7 : memref<!tpu.dma_semaphore, #tpu.memory_space<semaphore_mem>>)
      } else {
      }
      %mul3A_186 = arith.constant 512 : i32
      %mul3A_187 = arith.muli %add3A_173, %mul3A_186 : i32
      %add3A_188 = arith.constant 0 : i32
      %add3A_189 = arith.addi %mul3A_187, %add3A_188 : i32
      %dma_wait3A_190 = arith.constant 1 : i32
      %dma_wait3A_191 = arith.constant 0 : i32
      %dma_wait3A_192 = arith.constant 0 : i32
      %dma_wait3A_193 = tpu.memref_slice %arg6[%dma_wait3A_190, %dma_wait3A_191, %dma_wait3A_192] : memref<2x512x64xf32, #tpu.memory_space<vmem>> -> memref<1x512x64xf32, #tpu.memory_space<vmem>>
      %dma_wait3A_194 = tpu.memref_squeeze %dma_wait3A_193 : memref<1x512x64xf32, #tpu.memory_space<vmem>> -> memref<512x64xf32, #tpu.memory_space<vmem>>
      %dma_wait3A_195 = arith.constant 0 : i32
      %dma_wait3A_196 = arith.constant 0 : i32
      %dma_wait3A_197 = tpu.memref_slice %dma_wait3A_194[%dma_wait3A_195, %dma_wait3A_196] : memref<512x64xf32, #tpu.memory_space<vmem>> -> memref<128x64xf32, #tpu.memory_space<vmem>>
      %dma_wait3A_198 = tpu.memref_slice %arg5[%add3A_189] : memref<25600xi32, #tpu.memory_space<vmem>> -> memref<128xi32, #tpu.memory_space<vmem>>
      %dma_wait3A_199 = arith.constant 0 : i32
      %dma_wait3A_200 = arith.constant 0 : i32
      %dma_wait3A_201 = tpu.memref_slice %arg3[%dma_wait3A_199, %dma_wait3A_200] : memref<1000000x64xf32, #tpu.memory_space<hbm>> -> memref<1000000x64xf32, #tpu.memory_space<hbm>>
      tpu.wait_indirect_dma semaphore(%arg7 : memref<!tpu.dma_semaphore, #tpu.memory_space<semaphore_mem>>) src(%dma_wait3A_201 : memref<1000000x64xf32, #tpu.memory_space<hbm>>) dst(%dma_wait3A_197 : memref<128x64xf32, #tpu.memory_space<vmem>>)
      %mul3A_202 = arith.constant 512 : i32
      %mul3A_203 = arith.muli %add3A_173, %mul3A_202 : i32
      %add3A_204 = arith.constant 128 : i32
      %add3A_205 = arith.addi %mul3A_203, %add3A_204 : i32
      %dma_wait3A_206 = arith.constant 1 : i32
      %dma_wait3A_207 = arith.constant 0 : i32
      %dma_wait3A_208 = arith.constant 0 : i32
      %dma_wait3A_209 = tpu.memref_slice %arg6[%dma_wait3A_206, %dma_wait3A_207, %dma_wait3A_208] : memref<2x512x64xf32, #tpu.memory_space<vmem>> -> memref<1x512x64xf32, #tpu.memory_space<vmem>>
      %dma_wait3A_210 = tpu.memref_squeeze %dma_wait3A_209 : memref<1x512x64xf32, #tpu.memory_space<vmem>> -> memref<512x64xf32, #tpu.memory_space<vmem>>
      %dma_wait3A_211 = arith.constant 128 : i32
      %dma_wait3A_212 = arith.constant 0 : i32
      %dma_wait3A_213 = tpu.memref_slice %dma_wait3A_210[%dma_wait3A_211, %dma_wait3A_212] : memref<512x64xf32, #tpu.memory_space<vmem>> -> memref<128x64xf32, #tpu.memory_space<vmem>>
      %dma_wait3A_214 = tpu.memref_slice %arg5[%add3A_205] : memref<25600xi32, #tpu.memory_space<vmem>> -> memref<128xi32, #tpu.memory_space<vmem>>
      %dma_wait3A_215 = arith.constant 0 : i32
      %dma_wait3A_216 = arith.constant 0 : i32
      %dma_wait3A_217 = tpu.memref_slice %arg3[%dma_wait3A_215, %dma_wait3A_216] : memref<1000000x64xf32, #tpu.memory_space<hbm>> -> memref<1000000x64xf32, #tpu.memory_space<hbm>>
      tpu.wait_indirect_dma semaphore(%arg7 : memref<!tpu.dma_semaphore, #tpu.memory_space<semaphore_mem>>) src(%dma_wait3A_217 : memref<1000000x64xf32, #tpu.memory_space<hbm>>) dst(%dma_wait3A_213 : memref<128x64xf32, #tpu.memory_space<vmem>>)
      %mul3A_218 = arith.constant 512 : i32
      %mul3A_219 = arith.muli %add3A_173, %mul3A_218 : i32
      %add3A_220 = arith.constant 256 : i32
      %add3A_221 = arith.addi %mul3A_219, %add3A_220 : i32
      %dma_wait3A_222 = arith.constant 1 : i32
      %dma_wait3A_223 = arith.constant 0 : i32
      %dma_wait3A_224 = arith.constant 0 : i32
      %dma_wait3A_225 = tpu.memref_slice %arg6[%dma_wait3A_222, %dma_wait3A_223, %dma_wait3A_224] : memref<2x512x64xf32, #tpu.memory_space<vmem>> -> memref<1x512x64xf32, #tpu.memory_space<vmem>>
      %dma_wait3A_226 = tpu.memref_squeeze %dma_wait3A_225 : memref<1x512x64xf32, #tpu.memory_space<vmem>> -> memref<512x64xf32, #tpu.memory_space<vmem>>
      %dma_wait3A_227 = arith.constant 256 : i32
      %dma_wait3A_228 = arith.constant 0 : i32
      %dma_wait3A_229 = tpu.memref_slice %dma_wait3A_226[%dma_wait3A_227, %dma_wait3A_228] : memref<512x64xf32, #tpu.memory_space<vmem>> -> memref<128x64xf32, #tpu.memory_space<vmem>>
      %dma_wait3A_230 = tpu.memref_slice %arg5[%add3A_221] : memref<25600xi32, #tpu.memory_space<vmem>> -> memref<128xi32, #tpu.memory_space<vmem>>
      %dma_wait3A_231 = arith.constant 0 : i32
      %dma_wait3A_232 = arith.constant 0 : i32
      %dma_wait3A_233 = tpu.memref_slice %arg3[%dma_wait3A_231, %dma_wait3A_232] : memref<1000000x64xf32, #tpu.memory_space<hbm>> -> memref<1000000x64xf32, #tpu.memory_space<hbm>>
      tpu.wait_indirect_dma semaphore(%arg7 : memref<!tpu.dma_semaphore, #tpu.memory_space<semaphore_mem>>) src(%dma_wait3A_233 : memref<1000000x64xf32, #tpu.memory_space<hbm>>) dst(%dma_wait3A_229 : memref<128x64xf32, #tpu.memory_space<vmem>>)
      %mul3A_234 = arith.constant 512 : i32
      %mul3A_235 = arith.muli %add3A_173, %mul3A_234 : i32
      %add3A_236 = arith.constant 384 : i32
      %add3A_237 = arith.addi %mul3A_235, %add3A_236 : i32
      %dma_wait3A_238 = arith.constant 1 : i32
      %dma_wait3A_239 = arith.constant 0 : i32
      %dma_wait3A_240 = arith.constant 0 : i32
      %dma_wait3A_241 = tpu.memref_slice %arg6[%dma_wait3A_238, %dma_wait3A_239, %dma_wait3A_240] : memref<2x512x64xf32, #tpu.memory_space<vmem>> -> memref<1x512x64xf32, #tpu.memory_space<vmem>>
      %dma_wait3A_242 = tpu.memref_squeeze %dma_wait3A_241 : memref<1x512x64xf32, #tpu.memory_space<vmem>> -> memref<512x64xf32, #tpu.memory_space<vmem>>
      %dma_wait3A_243 = arith.constant 384 : i32
      %dma_wait3A_244 = arith.constant 0 : i32
      %dma_wait3A_245 = tpu.memref_slice %dma_wait3A_242[%dma_wait3A_243, %dma_wait3A_244] : memref<512x64xf32, #tpu.memory_space<vmem>> -> memref<128x64xf32, #tpu.memory_space<vmem>>
      %dma_wait3A_246 = tpu.memref_slice %arg5[%add3A_237] : memref<25600xi32, #tpu.memory_space<vmem>> -> memref<128xi32, #tpu.memory_space<vmem>>
      %dma_wait3A_247 = arith.constant 0 : i32
      %dma_wait3A_248 = arith.constant 0 : i32
      %dma_wait3A_249 = tpu.memref_slice %arg3[%dma_wait3A_247, %dma_wait3A_248] : memref<1000000x64xf32, #tpu.memory_space<hbm>> -> memref<1000000x64xf32, #tpu.memory_space<hbm>>
      tpu.wait_indirect_dma semaphore(%arg7 : memref<!tpu.dma_semaphore, #tpu.memory_space<semaphore_mem>>) src(%dma_wait3A_249 : memref<1000000x64xf32, #tpu.memory_space<hbm>>) dst(%dma_wait3A_245 : memref<128x64xf32, #tpu.memory_space<vmem>>)
      %scan3A_250 = arith.constant 0 : i32
      %scan3A_251 = arith.constant 512 : i32
      %scan3A_252 = arith.addi %scan3A_250, %scan3A_251 : i32
      %scan3A_253 = arith.constant 8 : i32
      scf.for %scan3A_271 = %scan3A_250 to %scan3A_252 step %scan3A_253  : i32 {
        %mul3A_272 = arith.constant 1 : i32
        %mul3A_273 = arith.muli %scan3A_271, %mul3A_272 : i32
        %add3A_274 = arith.constant 0 : i32
        %add3A_275 = arith.addi %add3A_274, %mul3A_273 : i32
        %get3A = arith.constant 1 : i32
        %get3A_276 = arith.index_cast %get3A : i32 to index
        %get3A_277 = arith.index_cast %add3A_275 : i32 to index
        %get3A_278 = arith.constant 0 : index
        %get3A_279 = tpu.vector_load %arg6[%get3A_276, %get3A_277, %get3A_278] {strides = array<i32>} : memref<2x512x64xf32, #tpu.memory_space<vmem>>, vector<1x1x16xf32>,
        %get3A_280 = vector.shape_cast %get3A_279 : vector<1x1x16xf32> to vector<16xf32>
        %mul3A_281 = arith.constant 8.000000e+00 : f32
        %mul3A_282 = vector.broadcast %mul3A_281 : f32 to vector<16xf32>
        %mul3A_283 = arith.mulf %get3A_280, %mul3A_282 : vector<16xf32>
        %swap3A = arith.constant 1 : i32
        %swap3A_284 = arith.index_cast %swap3A : i32 to index
        %swap3A_285 = arith.index_cast %add3A_275 : i32 to index
        %swap3A_286 = arith.constant 0 : index
        %swap3A_287 = tpu.vector_load %arg6[%swap3A_284, %swap3A_285, %swap3A_286] {strides = array<i32>} : memref<2x512x64xf32, #tpu.memory_space<vmem>>, vector<1x1x16xf32>,
        %swap3A_288 = vector.shape_cast %swap3A_287 : vector<1x1x16xf32> to vector<16xf32>
        %swap3A_289 = vector.shape_cast %mul3A_283 : vector<16xf32> to vector<1x1x16xf32>
        tpu.vector_store %arg6[%swap3A_284, %swap3A_285, %swap3A_286], %swap3A_289 {strides = array<i32>} : memref<2x512x64xf32, #tpu.memory_space<vmem>>, vector<1x1x16xf32>,
        %get3A_290 = arith.constant 1 : i32
        %get3A_291 = arith.index_cast %get3A_290 : i32 to index
        %get3A_292 = arith.index_cast %add3A_275 : i32 to index
        %get3A_293 = arith.constant 16 : index
        %get3A_294 = tpu.vector_load %arg6[%get3A_291, %get3A_292, %get3A_293] {strides = array<i32>} : memref<2x512x64xf32, #tpu.memory_space<vmem>>, vector<1x1x16xf32>,
        %get3A_295 = vector.shape_cast %get3A_294 : vector<1x1x16xf32> to vector<16xf32>
        %mul3A_296 = arith.constant 8.000000e+00 : f32
        %mul3A_297 = vector.broadcast %mul3A_296 : f32 to vector<16xf32>
        %mul3A_298 = arith.mulf %get3A_295, %mul3A_297 : vector<16xf32>
        %swap3A_299 = arith.constant 1 : i32
        %swap3A_300 = arith.index_cast %swap3A_299 : i32 to index
        %swap3A_301 = arith.index_cast %add3A_275 : i32 to index
        %swap3A_302 = arith.constant 16 : index
        %swap3A_303 = tpu.vector_load %arg6[%swap3A_300, %swap3A_301, %swap3A_302] {strides = array<i32>} : memref<2x512x64xf32, #tpu.memory_space<vmem>>, vector<1x1x16xf32>,
        %swap3A_304 = vector.shape_cast %swap3A_303 : vector<1x1x16xf32> to vector<16xf32>
        %swap3A_305 = vector.shape_cast %mul3A_298 : vector<16xf32> to vector<1x1x16xf32>
        tpu.vector_store %arg6[%swap3A_300, %swap3A_301, %swap3A_302], %swap3A_305 {strides = array<i32>} : memref<2x512x64xf32, #tpu.memory_space<vmem>>, vector<1x1x16xf32>,
        %get3A_306 = arith.constant 1 : i32
        %get3A_307 = arith.index_cast %get3A_306 : i32 to index
        %get3A_308 = arith.index_cast %add3A_275 : i32 to index
        %get3A_309 = arith.constant 32 : index
        %get3A_310 = tpu.vector_load %arg6[%get3A_307, %get3A_308, %get3A_309] {strides = array<i32>} : memref<2x512x64xf32, #tpu.memory_space<vmem>>, vector<1x1x16xf32>,
        %get3A_311 = vector.shape_cast %get3A_310 : vector<1x1x16xf32> to vector<16xf32>
        %mul3A_312 = arith.constant 8.000000e+00 : f32
        %mul3A_313 = vector.broadcast %mul3A_312 : f32 to vector<16xf32>
        %mul3A_314 = arith.mulf %get3A_311, %mul3A_313 : vector<16xf32>
        %swap3A_315 = arith.constant 1 : i32
        %swap3A_316 = arith.index_cast %swap3A_315 : i32 to index
        %swap3A_317 = arith.index_cast %add3A_275 : i32 to index
        %swap3A_318 = arith.constant 32 : index
        %swap3A_319 = tpu.vector_load %arg6[%swap3A_316, %swap3A_317, %swap3A_318] {strides = array<i32>} : memref<2x512x64xf32, #tpu.memory_space<vmem>>, vector<1x1x16xf32>,
        %swap3A_320 = vector.shape_cast %swap3A_319 : vector<1x1x16xf32> to vector<16xf32>
        %swap3A_321 = vector.shape_cast %mul3A_314 : vector<16xf32> to vector<1x1x16xf32>
        tpu.vector_store %arg6[%swap3A_316, %swap3A_317, %swap3A_318], %swap3A_321 {strides = array<i32>} : memref<2x512x64xf32, #tpu.memory_space<vmem>>, vector<1x1x16xf32>,
        %get3A_322 = arith.constant 1 : i32
        %get3A_323 = arith.index_cast %get3A_322 : i32 to index
        %get3A_324 = arith.index_cast %add3A_275 : i32 to index
        %get3A_325 = arith.constant 48 : index
        %get3A_326 = tpu.vector_load %arg6[%get3A_323, %get3A_324, %get3A_325] {strides = array<i32>} : memref<2x512x64xf32, #tpu.memory_space<vmem>>, vector<1x1x16xf32>,
        %get3A_327 = vector.shape_cast %get3A_326 : vector<1x1x16xf32> to vector<16xf32>
        %mul3A_328 = arith.constant 8.000000e+00 : f32
        %mul3A_329 = vector.broadcast %mul3A_328 : f32 to vector<16xf32>
        %mul3A_330 = arith.mulf %get3A_327, %mul3A_329 : vector<16xf32>
        %swap3A_331 = arith.constant 1 : i32
        %swap3A_332 = arith.index_cast %swap3A_331 : i32 to index
        %swap3A_333 = arith.index_cast %add3A_275 : i32 to index
        %swap3A_334 = arith.constant 48 : index
        %swap3A_335 = tpu.vector_load %arg6[%swap3A_332, %swap3A_333, %swap3A_334] {strides = array<i32>} : memref<2x512x64xf32, #tpu.memory_space<vmem>>, vector<1x1x16xf32>,
        %swap3A_336 = vector.shape_cast %swap3A_335 : vector<1x1x16xf32> to vector<16xf32>
        %swap3A_337 = vector.shape_cast %mul3A_330 : vector<16xf32> to vector<1x1x16xf32>
        tpu.vector_store %arg6[%swap3A_332, %swap3A_333, %swap3A_334], %swap3A_337 {strides = array<i32>} : memref<2x512x64xf32, #tpu.memory_space<vmem>>, vector<1x1x16xf32>,
        %scan3A_338 = arith.constant 1 : i32
        %scan3A_339 = arith.addi %scan3A_271, %scan3A_338 : i32
        %mul3A_340 = arith.constant 1 : i32
        %mul3A_341 = arith.muli %scan3A_339, %mul3A_340 : i32
        %add3A_342 = arith.constant 0 : i32
        %add3A_343 = arith.addi %add3A_342, %mul3A_341 : i32
        %get3A_344 = arith.constant 1 : i32
        %get3A_345 = arith.index_cast %get3A_344 : i32 to index
        %get3A_346 = arith.index_cast %add3A_343 : i32 to index
        %get3A_347 = arith.constant 0 : index
        %get3A_348 = tpu.vector_load %arg6[%get3A_345, %get3A_346, %get3A_347] {strides = array<i32>} : memref<2x512x64xf32, #tpu.memory_space<vmem>>, vector<1x1x16xf32>,
        %get3A_349 = vector.shape_cast %get3A_348 : vector<1x1x16xf32> to vector<16xf32>
        %mul3A_350 = arith.constant 8.000000e+00 : f32
        %mul3A_351 = vector.broadcast %mul3A_350 : f32 to vector<16xf32>
        %mul3A_352 = arith.mulf %get3A_349, %mul3A_351 : vector<16xf32>
        %swap3A_353 = arith.constant 1 : i32
        %swap3A_354 = arith.index_cast %swap3A_353 : i32 to index
        %swap3A_355 = arith.index_cast %add3A_343 : i32 to index
        %swap3A_356 = arith.constant 0 : index
        %swap3A_357 = tpu.vector_load %arg6[%swap3A_354, %swap3A_355, %swap3A_356] {strides = array<i32>} : memref<2x512x64xf32, #tpu.memory_space<vmem>>, vector<1x1x16xf32>,
        %swap3A_358 = vector.shape_cast %swap3A_357 : vector<1x1x16xf32> to vector<16xf32>
        %swap3A_359 = vector.shape_cast %mul3A_352 : vector<16xf32> to vector<1x1x16xf32>
        tpu.vector_store %arg6[%swap3A_354, %swap3A_355, %swap3A_356], %swap3A_359 {strides = array<i32>} : memref<2x512x64xf32, #tpu.memory_space<vmem>>, vector<1x1x16xf32>,
        %get3A_360 = arith.constant 1 : i32
        %get3A_361 = arith.index_cast %get3A_360 : i32 to index
        %get3A_362 = arith.index_cast %add3A_343 : i32 to index
        %get3A_363 = arith.constant 16 : index
        %get3A_364 = tpu.vector_load %arg6[%get3A_361, %get3A_362, %get3A_363] {strides = array<i32>} : memref<2x512x64xf32, #tpu.memory_space<vmem>>, vector<1x1x16xf32>,
        %get3A_365 = vector.shape_cast %get3A_364 : vector<1x1x16xf32> to vector<16xf32>
        %mul3A_366 = arith.constant 8.000000e+00 : f32
        %mul3A_367 = vector.broadcast %mul3A_366 : f32 to vector<16xf32>
        %mul3A_368 = arith.mulf %get3A_365, %mul3A_367 : vector<16xf32>
        %swap3A_369 = arith.constant 1 : i32
        %swap3A_370 = arith.index_cast %swap3A_369 : i32 to index
        %swap3A_371 = arith.index_cast %add3A_343 : i32 to index
        %swap3A_372 = arith.constant 16 : index
        %swap3A_373 = tpu.vector_load %arg6[%swap3A_370, %swap3A_371, %swap3A_372] {strides = array<i32>} : memref<2x512x64xf32, #tpu.memory_space<vmem>>, vector<1x1x16xf32>,
        %swap3A_374 = vector.shape_cast %swap3A_373 : vector<1x1x16xf32> to vector<16xf32>
        %swap3A_375 = vector.shape_cast %mul3A_368 : vector<16xf32> to vector<1x1x16xf32>
        tpu.vector_store %arg6[%swap3A_370, %swap3A_371, %swap3A_372], %swap3A_375 {strides = array<i32>} : memref<2x512x64xf32, #tpu.memory_space<vmem>>, vector<1x1x16xf32>,
        %get3A_376 = arith.constant 1 : i32
        %get3A_377 = arith.index_cast %get3A_376 : i32 to index
        %get3A_378 = arith.index_cast %add3A_343 : i32 to index
        %get3A_379 = arith.constant 32 : index
        %get3A_380 = tpu.vector_load %arg6[%get3A_377, %get3A_378, %get3A_379] {strides = array<i32>} : memref<2x512x64xf32, #tpu.memory_space<vmem>>, vector<1x1x16xf32>,
        %get3A_381 = vector.shape_cast %get3A_380 : vector<1x1x16xf32> to vector<16xf32>
        %mul3A_382 = arith.constant 8.000000e+00 : f32
        %mul3A_383 = vector.broadcast %mul3A_382 : f32 to vector<16xf32>
        %mul3A_384 = arith.mulf %get3A_381, %mul3A_383 : vector<16xf32>
        %swap3A_385 = arith.constant 1 : i32
        %swap3A_386 = arith.index_cast %swap3A_385 : i32 to index
        %swap3A_387 = arith.index_cast %add3A_343 : i32 to index
        %swap3A_388 = arith.constant 32 : index
        %swap3A_389 = tpu.vector_load %arg6[%swap3A_386, %swap3A_387, %swap3A_388] {strides = array<i32>} : memref<2x512x64xf32, #tpu.memory_space<vmem>>, vector<1x1x16xf32>,
        %swap3A_390 = vector.shape_cast %swap3A_389 : vector<1x1x16xf32> to vector<16xf32>
        %swap3A_391 = vector.shape_cast %mul3A_384 : vector<16xf32> to vector<1x1x16xf32>
        tpu.vector_store %arg6[%swap3A_386, %swap3A_387, %swap3A_388], %swap3A_391 {strides = array<i32>} : memref<2x512x64xf32, #tpu.memory_space<vmem>>, vector<1x1x16xf32>,
        %get3A_392 = arith.constant 1 : i32
        %get3A_393 = arith.index_cast %get3A_392 : i32 to index
        %get3A_394 = arith.index_cast %add3A_343 : i32 to index
        %get3A_395 = arith.constant 48 : index
        %get3A_396 = tpu.vector_load %arg6[%get3A_393, %get3A_394, %get3A_395] {strides = array<i32>} : memref<2x512x64xf32, #tpu.memory_space<vmem>>, vector<1x1x16xf32>,
        %get3A_397 = vector.shape_cast %get3A_396 : vector<1x1x16xf32> to vector<16xf32>
        %mul3A_398 = arith.constant 8.000000e+00 : f32
        %mul3A_399 = vector.broadcast %mul3A_398 : f32 to vector<16xf32>
        %mul3A_400 = arith.mulf %get3A_397, %mul3A_399 : vector<16xf32>
        %swap3A_401 = arith.constant 1 : i32
        %swap3A_402 = arith.index_cast %swap3A_401 : i32 to index
        %swap3A_403 = arith.index_cast %add3A_343 : i32 to index
        %swap3A_404 = arith.constant 48 : index
        %swap3A_405 = tpu.vector_load %arg6[%swap3A_402, %swap3A_403, %swap3A_404] {strides = array<i32>} : memref<2x512x64xf32, #tpu.memory_space<vmem>>, vector<1x1x16xf32>,
        %swap3A_406 = vector.shape_cast %swap3A_405 : vector<1x1x16xf32> to vector<16xf32>
        %swap3A_407 = vector.shape_cast %mul3A_400 : vector<16xf32> to vector<1x1x16xf32>
        tpu.vector_store %arg6[%swap3A_402, %swap3A_403, %swap3A_404], %swap3A_407 {strides = array<i32>} : memref<2x512x64xf32, #tpu.memory_space<vmem>>, vector<1x1x16xf32>,
        %scan3A_408 = arith.constant 2 : i32
        %scan3A_409 = arith.addi %scan3A_271, %scan3A_408 : i32
        %mul3A_410 = arith.constant 1 : i32
        %mul3A_411 = arith.muli %scan3A_409, %mul3A_410 : i32
        %add3A_412 = arith.constant 0 : i32
        %add3A_413 = arith.addi %add3A_412, %mul3A_411 : i32
        %get3A_414 = arith.constant 1 : i32
        %get3A_415 = arith.index_cast %get3A_414 : i32 to index
        %get3A_416 = arith.index_cast %add3A_413 : i32 to index
        %get3A_417 = arith.constant 0 : index
        %get3A_418 = tpu.vector_load %arg6[%get3A_415, %get3A_416, %get3A_417] {strides = array<i32>} : memref<2x512x64xf32, #tpu.memory_space<vmem>>, vector<1x1x16xf32>,
        %get3A_419 = vector.shape_cast %get3A_418 : vector<1x1x16xf32> to vector<16xf32>
        %mul3A_420 = arith.constant 8.000000e+00 : f32
        %mul3A_421 = vector.broadcast %mul3A_420 : f32 to vector<16xf32>
        %mul3A_422 = arith.mulf %get3A_419, %mul3A_421 : vector<16xf32>
        %swap3A_423 = arith.constant 1 : i32
        %swap3A_424 = arith.index_cast %swap3A_423 : i32 to index
        %swap3A_425 = arith.index_cast %add3A_413 : i32 to index
        %swap3A_426 = arith.constant 0 : index
        %swap3A_427 = tpu.vector_load %arg6[%swap3A_424, %swap3A_425, %swap3A_426] {strides = array<i32>} : memref<2x512x64xf32, #tpu.memory_space<vmem>>, vector<1x1x16xf32>,
        %swap3A_428 = vector.shape_cast %swap3A_427 : vector<1x1x16xf32> to vector<16xf32>
        %swap3A_429 = vector.shape_cast %mul3A_422 : vector<16xf32> to vector<1x1x16xf32>
        tpu.vector_store %arg6[%swap3A_424, %swap3A_425, %swap3A_426], %swap3A_429 {strides = array<i32>} : memref<2x512x64xf32, #tpu.memory_space<vmem>>, vector<1x1x16xf32>,
        %get3A_430 = arith.constant 1 : i32
        %get3A_431 = arith.index_cast %get3A_430 : i32 to index
        %get3A_432 = arith.index_cast %add3A_413 : i32 to index
        %get3A_433 = arith.constant 16 : index
        %get3A_434 = tpu.vector_load %arg6[%get3A_431, %get3A_432, %get3A_433] {strides = array<i32>} : memref<2x512x64xf32, #tpu.memory_space<vmem>>, vector<1x1x16xf32>,
        %get3A_435 = vector.shape_cast %get3A_434 : vector<1x1x16xf32> to vector<16xf32>
        %mul3A_436 = arith.constant 8.000000e+00 : f32
        %mul3A_437 = vector.broadcast %mul3A_436 : f32 to vector<16xf32>
        %mul3A_438 = arith.mulf %get3A_435, %mul3A_437 : vector<16xf32>
        %swap3A_439 = arith.constant 1 : i32
        %swap3A_440 = arith.index_cast %swap3A_439 : i32 to index
        %swap3A_441 = arith.index_cast %add3A_413 : i32 to index
        %swap3A_442 = arith.constant 16 : index
        %swap3A_443 = tpu.vector_load %arg6[%swap3A_440, %swap3A_441, %swap3A_442] {strides = array<i32>} : memref<2x512x64xf32, #tpu.memory_space<vmem>>, vector<1x1x16xf32>,
        %swap3A_444 = vector.shape_cast %swap3A_443 : vector<1x1x16xf32> to vector<16xf32>
        %swap3A_445 = vector.shape_cast %mul3A_438 : vector<16xf32> to vector<1x1x16xf32>
        tpu.vector_store %arg6[%swap3A_440, %swap3A_441, %swap3A_442], %swap3A_445 {strides = array<i32>} : memref<2x512x64xf32, #tpu.memory_space<vmem>>, vector<1x1x16xf32>,
        %get3A_446 = arith.constant 1 : i32
        %get3A_447 = arith.index_cast %get3A_446 : i32 to index
        %get3A_448 = arith.index_cast %add3A_413 : i32 to index
        %get3A_449 = arith.constant 32 : index
        %get3A_450 = tpu.vector_load %arg6[%get3A_447, %get3A_448, %get3A_449] {strides = array<i32>} : memref<2x512x64xf32, #tpu.memory_space<vmem>>, vector<1x1x16xf32>,
        %get3A_451 = vector.shape_cast %get3A_450 : vector<1x1x16xf32> to vector<16xf32>
        %mul3A_452 = arith.constant 8.000000e+00 : f32
        %mul3A_453 = vector.broadcast %mul3A_452 : f32 to vector<16xf32>
        %mul3A_454 = arith.mulf %get3A_451, %mul3A_453 : vector<16xf32>
        %swap3A_455 = arith.constant 1 : i32
        %swap3A_456 = arith.index_cast %swap3A_455 : i32 to index
        %swap3A_457 = arith.index_cast %add3A_413 : i32 to index
        %swap3A_458 = arith.constant 32 : index
        %swap3A_459 = tpu.vector_load %arg6[%swap3A_456, %swap3A_457, %swap3A_458] {strides = array<i32>} : memref<2x512x64xf32, #tpu.memory_space<vmem>>, vector<1x1x16xf32>,
        %swap3A_460 = vector.shape_cast %swap3A_459 : vector<1x1x16xf32> to vector<16xf32>
        %swap3A_461 = vector.shape_cast %mul3A_454 : vector<16xf32> to vector<1x1x16xf32>
        tpu.vector_store %arg6[%swap3A_456, %swap3A_457, %swap3A_458], %swap3A_461 {strides = array<i32>} : memref<2x512x64xf32, #tpu.memory_space<vmem>>, vector<1x1x16xf32>,
        %get3A_462 = arith.constant 1 : i32
        %get3A_463 = arith.index_cast %get3A_462 : i32 to index
        %get3A_464 = arith.index_cast %add3A_413 : i32 to index
        %get3A_465 = arith.constant 48 : index
        %get3A_466 = tpu.vector_load %arg6[%get3A_463, %get3A_464, %get3A_465] {strides = array<i32>} : memref<2x512x64xf32, #tpu.memory_space<vmem>>, vector<1x1x16xf32>,
        %get3A_467 = vector.shape_cast %get3A_466 : vector<1x1x16xf32> to vector<16xf32>
        %mul3A_468 = arith.constant 8.000000e+00 : f32
        %mul3A_469 = vector.broadcast %mul3A_468 : f32 to vector<16xf32>
        %mul3A_470 = arith.mulf %get3A_467, %mul3A_469 : vector<16xf32>
        %swap3A_471 = arith.constant 1 : i32
        %swap3A_472 = arith.index_cast %swap3A_471 : i32 to index
        %swap3A_473 = arith.index_cast %add3A_413 : i32 to index
        %swap3A_474 = arith.constant 48 : index
        %swap3A_475 = tpu.vector_load %arg6[%swap3A_472, %swap3A_473, %swap3A_474] {strides = array<i32>} : memref<2x512x64xf32, #tpu.memory_space<vmem>>, vector<1x1x16xf32>,
        %swap3A_476 = vector.shape_cast %swap3A_475 : vector<1x1x16xf32> to vector<16xf32>
        %swap3A_477 = vector.shape_cast %mul3A_470 : vector<16xf32> to vector<1x1x16xf32>
        tpu.vector_store %arg6[%swap3A_472, %swap3A_473, %swap3A_474], %swap3A_477 {strides = array<i32>} : memref<2x512x64xf32, #tpu.memory_space<vmem>>, vector<1x1x16xf32>,
        %scan3A_478 = arith.constant 3 : i32
        %scan3A_479 = arith.addi %scan3A_271, %scan3A_478 : i32
        %mul3A_480 = arith.constant 1 : i32
        %mul3A_481 = arith.muli %scan3A_479, %mul3A_480 : i32
        %add3A_482 = arith.constant 0 : i32
        %add3A_483 = arith.addi %add3A_482, %mul3A_481 : i32
        %get3A_484 = arith.constant 1 : i32
        %get3A_485 = arith.index_cast %get3A_484 : i32 to index
        %get3A_486 = arith.index_cast %add3A_483 : i32 to index
        %get3A_487 = arith.constant 0 : index
        %get3A_488 = tpu.vector_load %arg6[%get3A_485, %get3A_486, %get3A_487] {strides = array<i32>} : memref<2x512x64xf32, #tpu.memory_space<vmem>>, vector<1x1x16xf32>,
        %get3A_489 = vector.shape_cast %get3A_488 : vector<1x1x16xf32> to vector<16xf32>
        %mul3A_490 = arith.constant 8.000000e+00 : f32
        %mul3A_491 = vector.broadcast %mul3A_490 : f32 to vector<16xf32>
        %mul3A_492 = arith.mulf %get3A_489, %mul3A_491 : vector<16xf32>
        %swap3A_493 = arith.constant 1 : i32
        %swap3A_494 = arith.index_cast %swap3A_493 : i32 to index
        %swap3A_495 = arith.index_cast %add3A_483 : i32 to index
        %swap3A_496 = arith.constant 0 : index
        %swap3A_497 = tpu.vector_load %arg6[%swap3A_494, %swap3A_495, %swap3A_496] {strides = array<i32>} : memref<2x512x64xf32, #tpu.memory_space<vmem>>, vector<1x1x16xf32>,
        %swap3A_498 = vector.shape_cast %swap3A_497 : vector<1x1x16xf32> to vector<16xf32>
        %swap3A_499 = vector.shape_cast %mul3A_492 : vector<16xf32> to vector<1x1x16xf32>
        tpu.vector_store %arg6[%swap3A_494, %swap3A_495, %swap3A_496], %swap3A_499 {strides = array<i32>} : memref<2x512x64xf32, #tpu.memory_space<vmem>>, vector<1x1x16xf32>,
        %get3A_500 = arith.constant 1 : i32
        %get3A_501 = arith.index_cast %get3A_500 : i32 to index
        %get3A_502 = arith.index_cast %add3A_483 : i32 to index
        %get3A_503 = arith.constant 16 : index
        %get3A_504 = tpu.vector_load %arg6[%get3A_501, %get3A_502, %get3A_503] {strides = array<i32>} : memref<2x512x64xf32, #tpu.memory_space<vmem>>, vector<1x1x16xf32>,
        %get3A_505 = vector.shape_cast %get3A_504 : vector<1x1x16xf32> to vector<16xf32>
        %mul3A_506 = arith.constant 8.000000e+00 : f32
        %mul3A_507 = vector.broadcast %mul3A_506 : f32 to vector<16xf32>
        %mul3A_508 = arith.mulf %get3A_505, %mul3A_507 : vector<16xf32>
        %swap3A_509 = arith.constant 1 : i32
        %swap3A_510 = arith.index_cast %swap3A_509 : i32 to index
        %swap3A_511 = arith.index_cast %add3A_483 : i32 to index
        %swap3A_512 = arith.constant 16 : index
        %swap3A_513 = tpu.vector_load %arg6[%swap3A_510, %swap3A_511, %swap3A_512] {strides = array<i32>} : memref<2x512x64xf32, #tpu.memory_space<vmem>>, vector<1x1x16xf32>,
        %swap3A_514 = vector.shape_cast %swap3A_513 : vector<1x1x16xf32> to vector<16xf32>
        %swap3A_515 = vector.shape_cast %mul3A_508 : vector<16xf32> to vector<1x1x16xf32>
        tpu.vector_store %arg6[%swap3A_510, %swap3A_511, %swap3A_512], %swap3A_515 {strides = array<i32>} : memref<2x512x64xf32, #tpu.memory_space<vmem>>, vector<1x1x16xf32>,
        %get3A_516 = arith.constant 1 : i32
        %get3A_517 = arith.index_cast %get3A_516 : i32 to index
        %get3A_518 = arith.index_cast %add3A_483 : i32 to index
        %get3A_519 = arith.constant 32 : index
        %get3A_520 = tpu.vector_load %arg6[%get3A_517, %get3A_518, %get3A_519] {strides = array<i32>} : memref<2x512x64xf32, #tpu.memory_space<vmem>>, vector<1x1x16xf32>,
        %get3A_521 = vector.shape_cast %get3A_520 : vector<1x1x16xf32> to vector<16xf32>
        %mul3A_522 = arith.constant 8.000000e+00 : f32
        %mul3A_523 = vector.broadcast %mul3A_522 : f32 to vector<16xf32>
        %mul3A_524 = arith.mulf %get3A_521, %mul3A_523 : vector<16xf32>
        %swap3A_525 = arith.constant 1 : i32
        %swap3A_526 = arith.index_cast %swap3A_525 : i32 to index
        %swap3A_527 = arith.index_cast %add3A_483 : i32 to index
        %swap3A_528 = arith.constant 32 : index
        %swap3A_529 = tpu.vector_load %arg6[%swap3A_526, %swap3A_527, %swap3A_528] {strides = array<i32>} : memref<2x512x64xf32, #tpu.memory_space<vmem>>, vector<1x1x16xf32>,
        %swap3A_530 = vector.shape_cast %swap3A_529 : vector<1x1x16xf32> to vector<16xf32>
        %swap3A_531 = vector.shape_cast %mul3A_524 : vector<16xf32> to vector<1x1x16xf32>
        tpu.vector_store %arg6[%swap3A_526, %swap3A_527, %swap3A_528], %swap3A_531 {strides = array<i32>} : memref<2x512x64xf32, #tpu.memory_space<vmem>>, vector<1x1x16xf32>,
        %get3A_532 = arith.constant 1 : i32
        %get3A_533 = arith.index_cast %get3A_532 : i32 to index
        %get3A_534 = arith.index_cast %add3A_483 : i32 to index
        %get3A_535 = arith.constant 48 : index
        %get3A_536 = tpu.vector_load %arg6[%get3A_533, %get3A_534, %get3A_535] {strides = array<i32>} : memref<2x512x64xf32, #tpu.memory_space<vmem>>, vector<1x1x16xf32>,
        %get3A_537 = vector.shape_cast %get3A_536 : vector<1x1x16xf32> to vector<16xf32>
        %mul3A_538 = arith.constant 8.000000e+00 : f32
        %mul3A_539 = vector.broadcast %mul3A_538 : f32 to vector<16xf32>
        %mul3A_540 = arith.mulf %get3A_537, %mul3A_539 : vector<16xf32>
        %swap3A_541 = arith.constant 1 : i32
        %swap3A_542 = arith.index_cast %swap3A_541 : i32 to index
        %swap3A_543 = arith.index_cast %add3A_483 : i32 to index
        %swap3A_544 = arith.constant 48 : index
        %swap3A_545 = tpu.vector_load %arg6[%swap3A_542, %swap3A_543, %swap3A_544] {strides = array<i32>} : memref<2x512x64xf32, #tpu.memory_space<vmem>>, vector<1x1x16xf32>,
        %swap3A_546 = vector.shape_cast %swap3A_545 : vector<1x1x16xf32> to vector<16xf32>
        %swap3A_547 = vector.shape_cast %mul3A_540 : vector<16xf32> to vector<1x1x16xf32>
        tpu.vector_store %arg6[%swap3A_542, %swap3A_543, %swap3A_544], %swap3A_547 {strides = array<i32>} : memref<2x512x64xf32, #tpu.memory_space<vmem>>, vector<1x1x16xf32>,
        %scan3A_548 = arith.constant 4 : i32
        %scan3A_549 = arith.addi %scan3A_271, %scan3A_548 : i32
        %mul3A_550 = arith.constant 1 : i32
        %mul3A_551 = arith.muli %scan3A_549, %mul3A_550 : i32
        %add3A_552 = arith.constant 0 : i32
        %add3A_553 = arith.addi %add3A_552, %mul3A_551 : i32
        %get3A_554 = arith.constant 1 : i32
        %get3A_555 = arith.index_cast %get3A_554 : i32 to index
        %get3A_556 = arith.index_cast %add3A_553 : i32 to index
        %get3A_557 = arith.constant 0 : index
        %get3A_558 = tpu.vector_load %arg6[%get3A_555, %get3A_556, %get3A_557] {strides = array<i32>} : memref<2x512x64xf32, #tpu.memory_space<vmem>>, vector<1x1x16xf32>,
        %get3A_559 = vector.shape_cast %get3A_558 : vector<1x1x16xf32> to vector<16xf32>
        %mul3A_560 = arith.constant 8.000000e+00 : f32
        %mul3A_561 = vector.broadcast %mul3A_560 : f32 to vector<16xf32>
        %mul3A_562 = arith.mulf %get3A_559, %mul3A_561 : vector<16xf32>
        %swap3A_563 = arith.constant 1 : i32
        %swap3A_564 = arith.index_cast %swap3A_563 : i32 to index
        %swap3A_565 = arith.index_cast %add3A_553 : i32 to index
        %swap3A_566 = arith.constant 0 : index
        %swap3A_567 = tpu.vector_load %arg6[%swap3A_564, %swap3A_565, %swap3A_566] {strides = array<i32>} : memref<2x512x64xf32, #tpu.memory_space<vmem>>, vector<1x1x16xf32>,
        %swap3A_568 = vector.shape_cast %swap3A_567 : vector<1x1x16xf32> to vector<16xf32>
        %swap3A_569 = vector.shape_cast %mul3A_562 : vector<16xf32> to vector<1x1x16xf32>
        tpu.vector_store %arg6[%swap3A_564, %swap3A_565, %swap3A_566], %swap3A_569 {strides = array<i32>} : memref<2x512x64xf32, #tpu.memory_space<vmem>>, vector<1x1x16xf32>,
        %get3A_570 = arith.constant 1 : i32
        %get3A_571 = arith.index_cast %get3A_570 : i32 to index
        %get3A_572 = arith.index_cast %add3A_553 : i32 to index
        %get3A_573 = arith.constant 16 : index
        %get3A_574 = tpu.vector_load %arg6[%get3A_571, %get3A_572, %get3A_573] {strides = array<i32>} : memref<2x512x64xf32, #tpu.memory_space<vmem>>, vector<1x1x16xf32>,
        %get3A_575 = vector.shape_cast %get3A_574 : vector<1x1x16xf32> to vector<16xf32>
        %mul3A_576 = arith.constant 8.000000e+00 : f32
        %mul3A_577 = vector.broadcast %mul3A_576 : f32 to vector<16xf32>
        %mul3A_578 = arith.mulf %get3A_575, %mul3A_577 : vector<16xf32>
        %swap3A_579 = arith.constant 1 : i32
        %swap3A_580 = arith.index_cast %swap3A_579 : i32 to index
        %swap3A_581 = arith.index_cast %add3A_553 : i32 to index
        %swap3A_582 = arith.constant 16 : index
        %swap3A_583 = tpu.vector_load %arg6[%swap3A_580, %swap3A_581, %swap3A_582] {strides = array<i32>} : memref<2x512x64xf32, #tpu.memory_space<vmem>>, vector<1x1x16xf32>,
        %swap3A_584 = vector.shape_cast %swap3A_583 : vector<1x1x16xf32> to vector<16xf32>
        %swap3A_585 = vector.shape_cast %mul3A_578 : vector<16xf32> to vector<1x1x16xf32>
        tpu.vector_store %arg6[%swap3A_580, %swap3A_581, %swap3A_582], %swap3A_585 {strides = array<i32>} : memref<2x512x64xf32, #tpu.memory_space<vmem>>, vector<1x1x16xf32>,
        %get3A_586 = arith.constant 1 : i32
        %get3A_587 = arith.index_cast %get3A_586 : i32 to index
        %get3A_588 = arith.index_cast %add3A_553 : i32 to index
        %get3A_589 = arith.constant 32 : index
        %get3A_590 = tpu.vector_load %arg6[%get3A_587, %get3A_588, %get3A_589] {strides = array<i32>} : memref<2x512x64xf32, #tpu.memory_space<vmem>>, vector<1x1x16xf32>,
        %get3A_591 = vector.shape_cast %get3A_590 : vector<1x1x16xf32> to vector<16xf32>
        %mul3A_592 = arith.constant 8.000000e+00 : f32
        %mul3A_593 = vector.broadcast %mul3A_592 : f32 to vector<16xf32>
        %mul3A_594 = arith.mulf %get3A_591, %mul3A_593 : vector<16xf32>
        %swap3A_595 = arith.constant 1 : i32
        %swap3A_596 = arith.index_cast %swap3A_595 : i32 to index
        %swap3A_597 = arith.index_cast %add3A_553 : i32 to index
        %swap3A_598 = arith.constant 32 : index
        %swap3A_599 = tpu.vector_load %arg6[%swap3A_596, %swap3A_597, %swap3A_598] {strides = array<i32>} : memref<2x512x64xf32, #tpu.memory_space<vmem>>, vector<1x1x16xf32>,
        %swap3A_600 = vector.shape_cast %swap3A_599 : vector<1x1x16xf32> to vector<16xf32>
        %swap3A_601 = vector.shape_cast %mul3A_594 : vector<16xf32> to vector<1x1x16xf32>
        tpu.vector_store %arg6[%swap3A_596, %swap3A_597, %swap3A_598], %swap3A_601 {strides = array<i32>} : memref<2x512x64xf32, #tpu.memory_space<vmem>>, vector<1x1x16xf32>,
        %get3A_602 = arith.constant 1 : i32
        %get3A_603 = arith.index_cast %get3A_602 : i32 to index
        %get3A_604 = arith.index_cast %add3A_553 : i32 to index
        %get3A_605 = arith.constant 48 : index
        %get3A_606 = tpu.vector_load %arg6[%get3A_603, %get3A_604, %get3A_605] {strides = array<i32>} : memref<2x512x64xf32, #tpu.memory_space<vmem>>, vector<1x1x16xf32>,
        %get3A_607 = vector.shape_cast %get3A_606 : vector<1x1x16xf32> to vector<16xf32>
        %mul3A_608 = arith.constant 8.000000e+00 : f32
        %mul3A_609 = vector.broadcast %mul3A_608 : f32 to vector<16xf32>
        %mul3A_610 = arith.mulf %get3A_607, %mul3A_609 : vector<16xf32>
        %swap3A_611 = arith.constant 1 : i32
        %swap3A_612 = arith.index_cast %swap3A_611 : i32 to index
        %swap3A_613 = arith.index_cast %add3A_553 : i32 to index
        %swap3A_614 = arith.constant 48 : index
        %swap3A_615 = tpu.vector_load %arg6[%swap3A_612, %swap3A_613, %swap3A_614] {strides = array<i32>} : memref<2x512x64xf32, #tpu.memory_space<vmem>>, vector<1x1x16xf32>,
        %swap3A_616 = vector.shape_cast %swap3A_615 : vector<1x1x16xf32> to vector<16xf32>
        %swap3A_617 = vector.shape_cast %mul3A_610 : vector<16xf32> to vector<1x1x16xf32>
        tpu.vector_store %arg6[%swap3A_612, %swap3A_613, %swap3A_614], %swap3A_617 {strides = array<i32>} : memref<2x512x64xf32, #tpu.memory_space<vmem>>, vector<1x1x16xf32>,
        %scan3A_618 = arith.constant 5 : i32
        %scan3A_619 = arith.addi %scan3A_271, %scan3A_618 : i32
        %mul3A_620 = arith.constant 1 : i32
        %mul3A_621 = arith.muli %scan3A_619, %mul3A_620 : i32
        %add3A_622 = arith.constant 0 : i32
        %add3A_623 = arith.addi %add3A_622, %mul3A_621 : i32
        %get3A_624 = arith.constant 1 : i32
        %get3A_625 = arith.index_cast %get3A_624 : i32 to index
        %get3A_626 = arith.index_cast %add3A_623 : i32 to index
        %get3A_627 = arith.constant 0 : index
        %get3A_628 = tpu.vector_load %arg6[%get3A_625, %get3A_626, %get3A_627] {strides = array<i32>} : memref<2x512x64xf32, #tpu.memory_space<vmem>>, vector<1x1x16xf32>,
        %get3A_629 = vector.shape_cast %get3A_628 : vector<1x1x16xf32> to vector<16xf32>
        %mul3A_630 = arith.constant 8.000000e+00 : f32
        %mul3A_631 = vector.broadcast %mul3A_630 : f32 to vector<16xf32>
        %mul3A_632 = arith.mulf %get3A_629, %mul3A_631 : vector<16xf32>
        %swap3A_633 = arith.constant 1 : i32
        %swap3A_634 = arith.index_cast %swap3A_633 : i32 to index
        %swap3A_635 = arith.index_cast %add3A_623 : i32 to index
        %swap3A_636 = arith.constant 0 : index
        %swap3A_637 = tpu.vector_load %arg6[%swap3A_634, %swap3A_635, %swap3A_636] {strides = array<i32>} : memref<2x512x64xf32, #tpu.memory_space<vmem>>, vector<1x1x16xf32>,
        %swap3A_638 = vector.shape_cast %swap3A_637 : vector<1x1x16xf32> to vector<16xf32>
        %swap3A_639 = vector.shape_cast %mul3A_632 : vector<16xf32> to vector<1x1x16xf32>
        tpu.vector_store %arg6[%swap3A_634, %swap3A_635, %swap3A_636], %swap3A_639 {strides = array<i32>} : memref<2x512x64xf32, #tpu.memory_space<vmem>>, vector<1x1x16xf32>,
        %get3A_640 = arith.constant 1 : i32
        %get3A_641 = arith.index_cast %get3A_640 : i32 to index
        %get3A_642 = arith.index_cast %add3A_623 : i32 to index
        %get3A_643 = arith.constant 16 : index
        %get3A_644 = tpu.vector_load %arg6[%get3A_641, %get3A_642, %get3A_643] {strides = array<i32>} : memref<2x512x64xf32, #tpu.memory_space<vmem>>, vector<1x1x16xf32>,
        %get3A_645 = vector.shape_cast %get3A_644 : vector<1x1x16xf32> to vector<16xf32>
        %mul3A_646 = arith.constant 8.000000e+00 : f32
        %mul3A_647 = vector.broadcast %mul3A_646 : f32 to vector<16xf32>
        %mul3A_648 = arith.mulf %get3A_645, %mul3A_647 : vector<16xf32>
        %swap3A_649 = arith.constant 1 : i32
        %swap3A_650 = arith.index_cast %swap3A_649 : i32 to index
        %swap3A_651 = arith.index_cast %add3A_623 : i32 to index
        %swap3A_652 = arith.constant 16 : index
        %swap3A_653 = tpu.vector_load %arg6[%swap3A_650, %swap3A_651, %swap3A_652] {strides = array<i32>} : memref<2x512x64xf32, #tpu.memory_space<vmem>>, vector<1x1x16xf32>,
        %swap3A_654 = vector.shape_cast %swap3A_653 : vector<1x1x16xf32> to vector<16xf32>
        %swap3A_655 = vector.shape_cast %mul3A_648 : vector<16xf32> to vector<1x1x16xf32>
        tpu.vector_store %arg6[%swap3A_650, %swap3A_651, %swap3A_652], %swap3A_655 {strides = array<i32>} : memref<2x512x64xf32, #tpu.memory_space<vmem>>, vector<1x1x16xf32>,
        %get3A_656 = arith.constant 1 : i32
        %get3A_657 = arith.index_cast %get3A_656 : i32 to index
        %get3A_658 = arith.index_cast %add3A_623 : i32 to index
        %get3A_659 = arith.constant 32 : index
        %get3A_660 = tpu.vector_load %arg6[%get3A_657, %get3A_658, %get3A_659] {strides = array<i32>} : memref<2x512x64xf32, #tpu.memory_space<vmem>>, vector<1x1x16xf32>,
        %get3A_661 = vector.shape_cast %get3A_660 : vector<1x1x16xf32> to vector<16xf32>
        %mul3A_662 = arith.constant 8.000000e+00 : f32
        %mul3A_663 = vector.broadcast %mul3A_662 : f32 to vector<16xf32>
        %mul3A_664 = arith.mulf %get3A_661, %mul3A_663 : vector<16xf32>
        %swap3A_665 = arith.constant 1 : i32
        %swap3A_666 = arith.index_cast %swap3A_665 : i32 to index
        %swap3A_667 = arith.index_cast %add3A_623 : i32 to index
        %swap3A_668 = arith.constant 32 : index
        %swap3A_669 = tpu.vector_load %arg6[%swap3A_666, %swap3A_667, %swap3A_668] {strides = array<i32>} : memref<2x512x64xf32, #tpu.memory_space<vmem>>, vector<1x1x16xf32>,
        %swap3A_670 = vector.shape_cast %swap3A_669 : vector<1x1x16xf32> to vector<16xf32>
        %swap3A_671 = vector.shape_cast %mul3A_664 : vector<16xf32> to vector<1x1x16xf32>
        tpu.vector_store %arg6[%swap3A_666, %swap3A_667, %swap3A_668], %swap3A_671 {strides = array<i32>} : memref<2x512x64xf32, #tpu.memory_space<vmem>>, vector<1x1x16xf32>,
        %get3A_672 = arith.constant 1 : i32
        %get3A_673 = arith.index_cast %get3A_672 : i32 to index
        %get3A_674 = arith.index_cast %add3A_623 : i32 to index
        %get3A_675 = arith.constant 48 : index
        %get3A_676 = tpu.vector_load %arg6[%get3A_673, %get3A_674, %get3A_675] {strides = array<i32>} : memref<2x512x64xf32, #tpu.memory_space<vmem>>, vector<1x1x16xf32>,
        %get3A_677 = vector.shape_cast %get3A_676 : vector<1x1x16xf32> to vector<16xf32>
        %mul3A_678 = arith.constant 8.000000e+00 : f32
        %mul3A_679 = vector.broadcast %mul3A_678 : f32 to vector<16xf32>
        %mul3A_680 = arith.mulf %get3A_677, %mul3A_679 : vector<16xf32>
        %swap3A_681 = arith.constant 1 : i32
        %swap3A_682 = arith.index_cast %swap3A_681 : i32 to index
        %swap3A_683 = arith.index_cast %add3A_623 : i32 to index
        %swap3A_684 = arith.constant 48 : index
        %swap3A_685 = tpu.vector_load %arg6[%swap3A_682, %swap3A_683, %swap3A_684] {strides = array<i32>} : memref<2x512x64xf32, #tpu.memory_space<vmem>>, vector<1x1x16xf32>,
        %swap3A_686 = vector.shape_cast %swap3A_685 : vector<1x1x16xf32> to vector<16xf32>
        %swap3A_687 = vector.shape_cast %mul3A_680 : vector<16xf32> to vector<1x1x16xf32>
        tpu.vector_store %arg6[%swap3A_682, %swap3A_683, %swap3A_684], %swap3A_687 {strides = array<i32>} : memref<2x512x64xf32, #tpu.memory_space<vmem>>, vector<1x1x16xf32>,
        %scan3A_688 = arith.constant 6 : i32
        %scan3A_689 = arith.addi %scan3A_271, %scan3A_688 : i32
        %mul3A_690 = arith.constant 1 : i32
        %mul3A_691 = arith.muli %scan3A_689, %mul3A_690 : i32
        %add3A_692 = arith.constant 0 : i32
        %add3A_693 = arith.addi %add3A_692, %mul3A_691 : i32
        %get3A_694 = arith.constant 1 : i32
        %get3A_695 = arith.index_cast %get3A_694 : i32 to index
        %get3A_696 = arith.index_cast %add3A_693 : i32 to index
        %get3A_697 = arith.constant 0 : index
        %get3A_698 = tpu.vector_load %arg6[%get3A_695, %get3A_696, %get3A_697] {strides = array<i32>} : memref<2x512x64xf32, #tpu.memory_space<vmem>>, vector<1x1x16xf32>,
        %get3A_699 = vector.shape_cast %get3A_698 : vector<1x1x16xf32> to vector<16xf32>
        %mul3A_700 = arith.constant 8.000000e+00 : f32
        %mul3A_701 = vector.broadcast %mul3A_700 : f32 to vector<16xf32>
        %mul3A_702 = arith.mulf %get3A_699, %mul3A_701 : vector<16xf32>
        %swap3A_703 = arith.constant 1 : i32
        %swap3A_704 = arith.index_cast %swap3A_703 : i32 to index
        %swap3A_705 = arith.index_cast %add3A_693 : i32 to index
        %swap3A_706 = arith.constant 0 : index
        %swap3A_707 = tpu.vector_load %arg6[%swap3A_704, %swap3A_705, %swap3A_706] {strides = array<i32>} : memref<2x512x64xf32, #tpu.memory_space<vmem>>, vector<1x1x16xf32>,
        %swap3A_708 = vector.shape_cast %swap3A_707 : vector<1x1x16xf32> to vector<16xf32>
        %swap3A_709 = vector.shape_cast %mul3A_702 : vector<16xf32> to vector<1x1x16xf32>
        tpu.vector_store %arg6[%swap3A_704, %swap3A_705, %swap3A_706], %swap3A_709 {strides = array<i32>} : memref<2x512x64xf32, #tpu.memory_space<vmem>>, vector<1x1x16xf32>,
        %get3A_710 = arith.constant 1 : i32
        %get3A_711 = arith.index_cast %get3A_710 : i32 to index
        %get3A_712 = arith.index_cast %add3A_693 : i32 to index
        %get3A_713 = arith.constant 16 : index
        %get3A_714 = tpu.vector_load %arg6[%get3A_711, %get3A_712, %get3A_713] {strides = array<i32>} : memref<2x512x64xf32, #tpu.memory_space<vmem>>, vector<1x1x16xf32>,
        %get3A_715 = vector.shape_cast %get3A_714 : vector<1x1x16xf32> to vector<16xf32>
        %mul3A_716 = arith.constant 8.000000e+00 : f32
        %mul3A_717 = vector.broadcast %mul3A_716 : f32 to vector<16xf32>
        %mul3A_718 = arith.mulf %get3A_715, %mul3A_717 : vector<16xf32>
        %swap3A_719 = arith.constant 1 : i32
        %swap3A_720 = arith.index_cast %swap3A_719 : i32 to index
        %swap3A_721 = arith.index_cast %add3A_693 : i32 to index
        %swap3A_722 = arith.constant 16 : index
        %swap3A_723 = tpu.vector_load %arg6[%swap3A_720, %swap3A_721, %swap3A_722] {strides = array<i32>} : memref<2x512x64xf32, #tpu.memory_space<vmem>>, vector<1x1x16xf32>,
        %swap3A_724 = vector.shape_cast %swap3A_723 : vector<1x1x16xf32> to vector<16xf32>
        %swap3A_725 = vector.shape_cast %mul3A_718 : vector<16xf32> to vector<1x1x16xf32>
        tpu.vector_store %arg6[%swap3A_720, %swap3A_721, %swap3A_722], %swap3A_725 {strides = array<i32>} : memref<2x512x64xf32, #tpu.memory_space<vmem>>, vector<1x1x16xf32>,
        %get3A_726 = arith.constant 1 : i32
        %get3A_727 = arith.index_cast %get3A_726 : i32 to index
        %get3A_728 = arith.index_cast %add3A_693 : i32 to index
        %get3A_729 = arith.constant 32 : index
        %get3A_730 = tpu.vector_load %arg6[%get3A_727, %get3A_728, %get3A_729] {strides = array<i32>} : memref<2x512x64xf32, #tpu.memory_space<vmem>>, vector<1x1x16xf32>,
        %get3A_731 = vector.shape_cast %get3A_730 : vector<1x1x16xf32> to vector<16xf32>
        %mul3A_732 = arith.constant 8.000000e+00 : f32
        %mul3A_733 = vector.broadcast %mul3A_732 : f32 to vector<16xf32>
        %mul3A_734 = arith.mulf %get3A_731, %mul3A_733 : vector<16xf32>
        %swap3A_735 = arith.constant 1 : i32
        %swap3A_736 = arith.index_cast %swap3A_735 : i32 to index
        %swap3A_737 = arith.index_cast %add3A_693 : i32 to index
        %swap3A_738 = arith.constant 32 : index
        %swap3A_739 = tpu.vector_load %arg6[%swap3A_736, %swap3A_737, %swap3A_738] {strides = array<i32>} : memref<2x512x64xf32, #tpu.memory_space<vmem>>, vector<1x1x16xf32>,
        %swap3A_740 = vector.shape_cast %swap3A_739 : vector<1x1x16xf32> to vector<16xf32>
        %swap3A_741 = vector.shape_cast %mul3A_734 : vector<16xf32> to vector<1x1x16xf32>
        tpu.vector_store %arg6[%swap3A_736, %swap3A_737, %swap3A_738], %swap3A_741 {strides = array<i32>} : memref<2x512x64xf32, #tpu.memory_space<vmem>>, vector<1x1x16xf32>,
        %get3A_742 = arith.constant 1 : i32
        %get3A_743 = arith.index_cast %get3A_742 : i32 to index
        %get3A_744 = arith.index_cast %add3A_693 : i32 to index
        %get3A_745 = arith.constant 48 : index
        %get3A_746 = tpu.vector_load %arg6[%get3A_743, %get3A_744, %get3A_745] {strides = array<i32>} : memref<2x512x64xf32, #tpu.memory_space<vmem>>, vector<1x1x16xf32>,
        %get3A_747 = vector.shape_cast %get3A_746 : vector<1x1x16xf32> to vector<16xf32>
        %mul3A_748 = arith.constant 8.000000e+00 : f32
        %mul3A_749 = vector.broadcast %mul3A_748 : f32 to vector<16xf32>
        %mul3A_750 = arith.mulf %get3A_747, %mul3A_749 : vector<16xf32>
        %swap3A_751 = arith.constant 1 : i32
        %swap3A_752 = arith.index_cast %swap3A_751 : i32 to index
        %swap3A_753 = arith.index_cast %add3A_693 : i32 to index
        %swap3A_754 = arith.constant 48 : index
        %swap3A_755 = tpu.vector_load %arg6[%swap3A_752, %swap3A_753, %swap3A_754] {strides = array<i32>} : memref<2x512x64xf32, #tpu.memory_space<vmem>>, vector<1x1x16xf32>,
        %swap3A_756 = vector.shape_cast %swap3A_755 : vector<1x1x16xf32> to vector<16xf32>
        %swap3A_757 = vector.shape_cast %mul3A_750 : vector<16xf32> to vector<1x1x16xf32>
        tpu.vector_store %arg6[%swap3A_752, %swap3A_753, %swap3A_754], %swap3A_757 {strides = array<i32>} : memref<2x512x64xf32, #tpu.memory_space<vmem>>, vector<1x1x16xf32>,
        %scan3A_758 = arith.constant 7 : i32
        %scan3A_759 = arith.addi %scan3A_271, %scan3A_758 : i32
        %mul3A_760 = arith.constant 1 : i32
        %mul3A_761 = arith.muli %scan3A_759, %mul3A_760 : i32
        %add3A_762 = arith.constant 0 : i32
        %add3A_763 = arith.addi %add3A_762, %mul3A_761 : i32
        %get3A_764 = arith.constant 1 : i32
        %get3A_765 = arith.index_cast %get3A_764 : i32 to index
        %get3A_766 = arith.index_cast %add3A_763 : i32 to index
        %get3A_767 = arith.constant 0 : index
        %get3A_768 = tpu.vector_load %arg6[%get3A_765, %get3A_766, %get3A_767] {strides = array<i32>} : memref<2x512x64xf32, #tpu.memory_space<vmem>>, vector<1x1x16xf32>,
        %get3A_769 = vector.shape_cast %get3A_768 : vector<1x1x16xf32> to vector<16xf32>
        %mul3A_770 = arith.constant 8.000000e+00 : f32
        %mul3A_771 = vector.broadcast %mul3A_770 : f32 to vector<16xf32>
        %mul3A_772 = arith.mulf %get3A_769, %mul3A_771 : vector<16xf32>
        %swap3A_773 = arith.constant 1 : i32
        %swap3A_774 = arith.index_cast %swap3A_773 : i32 to index
        %swap3A_775 = arith.index_cast %add3A_763 : i32 to index
        %swap3A_776 = arith.constant 0 : index
        %swap3A_777 = tpu.vector_load %arg6[%swap3A_774, %swap3A_775, %swap3A_776] {strides = array<i32>} : memref<2x512x64xf32, #tpu.memory_space<vmem>>, vector<1x1x16xf32>,
        %swap3A_778 = vector.shape_cast %swap3A_777 : vector<1x1x16xf32> to vector<16xf32>
        %swap3A_779 = vector.shape_cast %mul3A_772 : vector<16xf32> to vector<1x1x16xf32>
        tpu.vector_store %arg6[%swap3A_774, %swap3A_775, %swap3A_776], %swap3A_779 {strides = array<i32>} : memref<2x512x64xf32, #tpu.memory_space<vmem>>, vector<1x1x16xf32>,
        %get3A_780 = arith.constant 1 : i32
        %get3A_781 = arith.index_cast %get3A_780 : i32 to index
        %get3A_782 = arith.index_cast %add3A_763 : i32 to index
        %get3A_783 = arith.constant 16 : index
        %get3A_784 = tpu.vector_load %arg6[%get3A_781, %get3A_782, %get3A_783] {strides = array<i32>} : memref<2x512x64xf32, #tpu.memory_space<vmem>>, vector<1x1x16xf32>,
        %get3A_785 = vector.shape_cast %get3A_784 : vector<1x1x16xf32> to vector<16xf32>
        %mul3A_786 = arith.constant 8.000000e+00 : f32
        %mul3A_787 = vector.broadcast %mul3A_786 : f32 to vector<16xf32>
        %mul3A_788 = arith.mulf %get3A_785, %mul3A_787 : vector<16xf32>
        %swap3A_789 = arith.constant 1 : i32
        %swap3A_790 = arith.index_cast %swap3A_789 : i32 to index
        %swap3A_791 = arith.index_cast %add3A_763 : i32 to index
        %swap3A_792 = arith.constant 16 : index
        %swap3A_793 = tpu.vector_load %arg6[%swap3A_790, %swap3A_791, %swap3A_792] {strides = array<i32>} : memref<2x512x64xf32, #tpu.memory_space<vmem>>, vector<1x1x16xf32>,
        %swap3A_794 = vector.shape_cast %swap3A_793 : vector<1x1x16xf32> to vector<16xf32>
        %swap3A_795 = vector.shape_cast %mul3A_788 : vector<16xf32> to vector<1x1x16xf32>
        tpu.vector_store %arg6[%swap3A_790, %swap3A_791, %swap3A_792], %swap3A_795 {strides = array<i32>} : memref<2x512x64xf32, #tpu.memory_space<vmem>>, vector<1x1x16xf32>,
        %get3A_796 = arith.constant 1 : i32
        %get3A_797 = arith.index_cast %get3A_796 : i32 to index
        %get3A_798 = arith.index_cast %add3A_763 : i32 to index
        %get3A_799 = arith.constant 32 : index
        %get3A_800 = tpu.vector_load %arg6[%get3A_797, %get3A_798, %get3A_799] {strides = array<i32>} : memref<2x512x64xf32, #tpu.memory_space<vmem>>, vector<1x1x16xf32>,
        %get3A_801 = vector.shape_cast %get3A_800 : vector<1x1x16xf32> to vector<16xf32>
        %mul3A_802 = arith.constant 8.000000e+00 : f32
        %mul3A_803 = vector.broadcast %mul3A_802 : f32 to vector<16xf32>
        %mul3A_804 = arith.mulf %get3A_801, %mul3A_803 : vector<16xf32>
        %swap3A_805 = arith.constant 1 : i32
        %swap3A_806 = arith.index_cast %swap3A_805 : i32 to index
        %swap3A_807 = arith.index_cast %add3A_763 : i32 to index
        %swap3A_808 = arith.constant 32 : index
        %swap3A_809 = tpu.vector_load %arg6[%swap3A_806, %swap3A_807, %swap3A_808] {strides = array<i32>} : memref<2x512x64xf32, #tpu.memory_space<vmem>>, vector<1x1x16xf32>,
        %swap3A_810 = vector.shape_cast %swap3A_809 : vector<1x1x16xf32> to vector<16xf32>
        %swap3A_811 = vector.shape_cast %mul3A_804 : vector<16xf32> to vector<1x1x16xf32>
        tpu.vector_store %arg6[%swap3A_806, %swap3A_807, %swap3A_808], %swap3A_811 {strides = array<i32>} : memref<2x512x64xf32, #tpu.memory_space<vmem>>, vector<1x1x16xf32>,
        %get3A_812 = arith.constant 1 : i32
        %get3A_813 = arith.index_cast %get3A_812 : i32 to index
        %get3A_814 = arith.index_cast %add3A_763 : i32 to index
        %get3A_815 = arith.constant 48 : index
        %get3A_816 = tpu.vector_load %arg6[%get3A_813, %get3A_814, %get3A_815] {strides = array<i32>} : memref<2x512x64xf32, #tpu.memory_space<vmem>>, vector<1x1x16xf32>,
        %get3A_817 = vector.shape_cast %get3A_816 : vector<1x1x16xf32> to vector<16xf32>
        %mul3A_818 = arith.constant 8.000000e+00 : f32
        %mul3A_819 = vector.broadcast %mul3A_818 : f32 to vector<16xf32>
        %mul3A_820 = arith.mulf %get3A_817, %mul3A_819 : vector<16xf32>
        %swap3A_821 = arith.constant 1 : i32
        %swap3A_822 = arith.index_cast %swap3A_821 : i32 to index
        %swap3A_823 = arith.index_cast %add3A_763 : i32 to index
        %swap3A_824 = arith.constant 48 : index
        %swap3A_825 = tpu.vector_load %arg6[%swap3A_822, %swap3A_823, %swap3A_824] {strides = array<i32>} : memref<2x512x64xf32, #tpu.memory_space<vmem>>, vector<1x1x16xf32>,
        %swap3A_826 = vector.shape_cast %swap3A_825 : vector<1x1x16xf32> to vector<16xf32>
        %swap3A_827 = vector.shape_cast %mul3A_820 : vector<16xf32> to vector<1x1x16xf32>
        tpu.vector_store %arg6[%swap3A_822, %swap3A_823, %swap3A_824], %swap3A_827 {strides = array<i32>} : memref<2x512x64xf32, #tpu.memory_space<vmem>>, vector<1x1x16xf32>,
      }
      %scan3A_254 = arith.constant 512 : i32
      %mul3A_255 = arith.constant 512 : i32
      %mul3A_256 = arith.muli %add3A_173, %mul3A_255 : i32
      %add3A_257 = arith.addi %mul3A_2, %mul3A_256 : i32
      %dma_start3A_258 = arith.constant 1 : i32
      %dma_start3A_259 = arith.constant 0 : i32
      %dma_start3A_260 = arith.constant 0 : i32
      %dma_start3A_261 = tpu.memref_slice %arg6[%dma_start3A_258, %dma_start3A_259, %dma_start3A_260] : memref<2x512x64xf32, #tpu.memory_space<vmem>> -> memref<1x512x64xf32, #tpu.memory_space<vmem>>
      %dma_start3A_262 = tpu.memref_squeeze %dma_start3A_261 : memref<1x512x64xf32, #tpu.memory_space<vmem>> -> memref<512x64xf32, #tpu.memory_space<vmem>>
      %dma_start3A_263 = arith.constant 0 : i32
      %dma_start3A_264 = tpu.memref_slice %arg4[%add3A_257, %dma_start3A_263] : memref<819200x64xf32, #tpu.memory_space<hbm>> -> memref<512x64xf32, #tpu.memory_space<hbm>>
      %dma_start3A_265 = arith.constant 0 : i32
      %dma_start3A_266 = tpu.memref_slice %arg4[%add3A_257, %dma_start3A_265] : memref<819200x64xf32, #tpu.memory_space<hbm>> -> memref<512x64xf32, #tpu.memory_space<hbm>>
      %dma_start3A_267 = arith.constant 0 : i32
      %dma_start3A_268 = arith.constant 0 : i32
      %dma_start3A_269 = tpu.memref_slice %arg6[%dma_start3A_258, %dma_start3A_267, %dma_start3A_268] : memref<2x512x64xf32, #tpu.memory_space<vmem>> -> memref<1x512x64xf32, #tpu.memory_space<vmem>>
      %dma_start3A_270 = tpu.memref_squeeze %dma_start3A_269 : memref<1x512x64xf32, #tpu.memory_space<vmem>> -> memref<512x64xf32, #tpu.memory_space<vmem>>
      tpu.enqueue_dma source(%dma_start3A_270 : memref<512x64xf32, #tpu.memory_space<vmem>>) target(%dma_start3A_266 : memref<512x64xf32, #tpu.memory_space<hbm>>) target_semaphore(%arg8 : memref<!tpu.dma_semaphore, #tpu.memory_space<semaphore_mem>>)
    }
    %scan3A_57 = arith.constant 25 : i32
    %add3A_58 = arith.constant 25088 : i32
    %add3A_59 = arith.addi %mul3A_2, %add3A_58 : i32
    %dma_wait3A = arith.constant 1 : i32
    %dma_wait3A_60 = arith.constant 0 : i32
    %dma_wait3A_61 = arith.constant 0 : i32
    %dma_wait3A_62 = tpu.memref_slice %arg6[%dma_wait3A, %dma_wait3A_60, %dma_wait3A_61] : memref<2x512x64xf32, #tpu.memory_space<vmem>> -> memref<1x512x64xf32, #tpu.memory_space<vmem>>
    %dma_wait3A_63 = tpu.memref_squeeze %dma_wait3A_62 : memref<1x512x64xf32, #tpu.memory_space<vmem>> -> memref<512x64xf32, #tpu.memory_space<vmem>>
    %dma_wait3A_64 = arith.constant 0 : i32
    %dma_wait3A_65 = tpu.memref_slice %arg4[%add3A_59, %dma_wait3A_64] : memref<819200x64xf32, #tpu.memory_space<hbm>> -> memref<512x64xf32, #tpu.memory_space<hbm>>
    %dma_wait3A_66 = arith.constant 0 : i32
    %dma_wait3A_67 = tpu.memref_slice %arg4[%add3A_59, %dma_wait3A_66] : memref<819200x64xf32, #tpu.memory_space<hbm>> -> memref<512x64xf32, #tpu.memory_space<hbm>>
    %dma_wait3A_68 = arith.constant 0 : i32
    %dma_wait3A_69 = arith.constant 0 : i32
    %dma_wait3A_70 = tpu.memref_slice %arg6[%dma_wait3A, %dma_wait3A_68, %dma_wait3A_69] : memref<2x512x64xf32, #tpu.memory_space<vmem>> -> memref<1x512x64xf32, #tpu.memory_space<vmem>>
    %dma_wait3A_71 = tpu.memref_squeeze %dma_wait3A_70 : memref<1x512x64xf32, #tpu.memory_space<vmem>> -> memref<512x64xf32, #tpu.memory_space<vmem>>
    tpu.wait_dma2 semaphore(%arg8 : memref<!tpu.dma_semaphore, #tpu.memory_space<semaphore_mem>>) src(%dma_wait3A_71 : memref<512x64xf32, #tpu.memory_space<vmem>>) dst(%dma_wait3A_67 : memref<512x64xf32, #tpu.memory_space<hbm>>)
    return
  }
}

</mosaic_0001>

<sc_bundles>
// kernel: kernel.3.cloned.1.call-start
scs
__scs_entry_jumppad:
0x0: {  	(pc) =	sbr.rel $0x88, $3  }
0x1: {  	(tag) =	ssettag $0x0;
	lr =	simm.s32 $0x1  }
0x2: {  	[smem:$0x3F9F] =	sst lr;
	_ =	strace $0xD0000000  }
0x3: {  	_ = 	snop  }
0x4: {  	_ = 	snop  }
0x5: {  	_ = 	snop  }
0x6: {  	_ = 	snop  }
0x7: {  	_ = 	snop  }
__scs_overlays_trampoline_lowered:
0x8: {  	[smem:$0x3FAE] =	sst s0  }
0x9: {  	[smem:$0x3FAF] =	sst s1  }
0xa: {  	[smem:$0x3FB0] =	sst s2  }
0xb: {  	[smem:$0x3FB1] =	sst s3  }
0xc: {  	[smem:$0x3FB2] =	sst s4  }
0xd: {  	[smem:$0x3FB3] =	sst s5  }
0xe: {  	[smem:$0x3FB4] =	sst s6  }
0xf: {  	[smem:$0x3FB5] =	sst s7  }
0x10: {  	[smem:$0x3FB6] =	sst s8  }
0x11: {  	[smem:$0x3FB7] =	sst s9;
	s0 =	simm.s32 @!p0 $0x0  }
0x12: {  	s1 =	sld [smem:$0x3F9D];
	s0 =	simm.s32 @p0 $0x1  }
0x13: {  	[smem:$0x3FB8] =	sst s0;
	s0 =	simm.s32 @!p1 $0x0  }
0x14: {  	s2 =	sld [smem:$0x3F9C];
	s0 =	simm.s32 @p1 $0x1  }
0x15: {  	[smem:$0x3FB9] =	sst s0;
	s0 =	simm.s32 @!p2 $0x0  }
0x16: {  	s3 =	sld [smem:$0x3FDB];
	s0 =	simm.s32 @p2 $0x1  }
0x17: {  	s4 =	simm.s32 $0x1BF5;
	[smem:$0x3FBB] =	sst s0  }
0x18: {  	s0 =	sld [smem:$0x3F9E];
	_ =	swait.ge [sflag:s4], $0x0  }
0x19: {  	s7 =	sld [smem:$0x3F9F]  }
0x1a: {  	s8 =	sadd.s32 $0xFFFFE003, lr  }
0x1b: {  	s9 =	sadd.s32 $0xFFFFFEF7, lr;
	s5 =	simm.s32 $0xFFFFFFFF;
	p2 =	slt.u32 s8, $0xFFFFF086  }
0x1c: {  	p1 =	slt.u32 s9, $0xF7A;
	s5 =	simm.s32 @!p2 $0x0  }
0x1d: {  	s5 =	simm.s32 @p1 $0x1;
	p0 =	seq.s32 s7, s2  }
0x1e: {  	s7 =	smul.u32 @!p0 $0xF7A, s2;
	p2 =	seq.s32 @!p0 s5, $0x0  }
0x1f: {  	s9 =	smul.u32 $0xF7A, s1;
	s8 =	simm.s32 @!p0 $0x1BF5;
	p2 =	por !p2, p0  }
0x20: {  	[sflag:s8] =	ssyncset.s32 @!p0 $0xFFFFF086;
	s6 =	sadd.s32 @!p0 s3, s7;
	s7 =	simm.s32 @!p0 $0x108  }
0x21: {  	s3 =	sadd.s32 s3, s9;
	s6 =	sadd.s32 @!p0 $0x88, s6;
	s7 =	simm.s32 @p2 $0x1082  }
0x22: {  	[simem:s7], [sflag:s8] =	dma.local @!p0 [hbm:s6], $0xF7A  }
0x23: {  	s9 =	sor.u32 $0xD0000000, s2;
	s6 =	simm.s32 $0x108;
	_ =	swait.ge @!p0 [sflag:s8], $0x0  }
0x24: {  	s3 =	sadd.s32 $0x88, s3;
	s6 =	simm.s32 @!p1 $0x1082;
	[sflag:s4] =	ssyncset.s32 $0xFFFFF086  }
0x25: {  	[simem:s6], [sflag:s4] =	dma.local [hbm:s3], $0xF7A  }
0x26: {  	[smem:$0x3F9F] =	sst s1;
	(tag) =	ssettag s2;
	_ =	strace s9  }
0x27: {  	s1 =	sld [smem:$0x3FAF]  }
0x28: {  	s2 =	sld [smem:$0x3FB0]  }
0x29: {  	s4 =	sld [smem:$0x3FB2]  }
0x2a: {  	p0 =	seq.s32 s5, $0x0;
	s5 =	sld [smem:$0x3FB3]  }
0x2b: {  	s6 =	sld [smem:$0x3FB4]  }
0x2c: {  	s7 =	sld [smem:$0x3FB5]  }
0x2d: {  	s3 =	simm.s32 $0x108;
	s8 =	sld [smem:$0x3FB6]  }
0x2e: {  	s3 =	simm.s32 @!p0 $0x1082;
	s9 =	sld [smem:$0x3FB7]  }
0x2f: {  	lr =	sadd.s32 s0, s3;
	s0 =	sld [smem:$0x3FAE]  }
0x30: {  	s3 =	sld [smem:$0x3FB1]  }
0x31: {  	[smem:$0x3FBA] =	sst s10  }
0x32: {  	s10 =	sld [smem:$0x3FB8];
	_ =	sdelay $0x3  }
0x33: {  	p0 =	seq.s32 s10, $0x1;
	s10 =	sld [smem:$0x3FBA];
	_ =	sdelay $0x3  }
0x34: {  	[smem:$0x3FBA] =	sst s10  }
0x35: {  	s10 =	sld [smem:$0x3FB9];
	_ =	sdelay $0x3  }
0x36: {  	p1 =	seq.s32 s10, $0x1;
	s10 =	sld [smem:$0x3FBA];
	_ =	sdelay $0x3  }
0x37: {  	[smem:$0x3FBA] =	sst s10  }
0x38: {  	s10 =	sld [smem:$0x3FBB]  }
0x39: {  	_ = 	snop;
	(pc) =	sbr.ind lr, $3  }
0x3a: {  	_ = 	snop  }
0x3b: {  	_ = 	snop  }
0x3c: {  	p2 =	seq.s32 s10, $0x1;
	s10 =	sld [smem:$0x3FBA]  }
0x3d: {  	_ =	shalt  }
0x3e: {  	_ =	shalt  }
0x3f: {  	_ =	shalt  }
0x40: {  	_ =	shalt  }
0x41: {  	_ =	shalt  }
0x42: {  	_ =	shalt  }
0x43: {  	_ =	shalt  }
0x44: {  	_ =	shalt  }
0x45: {  	_ =	shalt  }
0x46: {  	_ =	shalt  }
0x47: {  	_ =	shalt  }
0x48: {  	_ =	shalt  }
0x49: {  	_ =	shalt  }
0x4a: {  	_ =	shalt  }
0x4b: {  	_ =	shalt  }
0x4c: {  	_ =	shalt  }
0x4d: {  	_ =	shalt  }
0x4e: {  	_ =	shalt  }
0x4f: {  	_ =	shalt  }
0x50: {  	_ =	shalt  }
0x51: {  	_ =	shalt  }
0x52: {  	_ =	shalt  }
0x53: {  	_ =	shalt  }
0x54: {  	_ =	shalt  }
0x55: {  	_ =	shalt  }
0x56: {  	_ =	shalt  }
0x57: {  	_ =	shalt  }
0x58: {  	_ =	shalt  }
0x59: {  	_ =	shalt  }
0x5a: {  	_ =	shalt  }
0x5b: {  	_ =	shalt  }
0x5c: {  	_ =	shalt  }
0x5d: {  	_ =	shalt  }
0x5e: {  	_ =	shalt  }
0x5f: {  	_ =	shalt  }
0x60: {  	_ =	shalt  }
0x61: {  	_ =	shalt  }
0x62: {  	_ =	shalt  }
0x63: {  	_ =	shalt  }
0x64: {  	_ =	shalt  }
0x65: {  	_ =	shalt  }
0x66: {  	_ =	shalt  }
0x67: {  	_ =	shalt  }
0x68: {  	_ =	shalt  }
0x69: {  	_ =	shalt  }
0x6a: {  	_ =	shalt  }
0x6b: {  	_ =	shalt  }
0x6c: {  	_ =	shalt  }
0x6d: {  	_ =	shalt  }
0x6e: {  	_ =	shalt  }
0x6f: {  	_ =	shalt  }
0x70: {  	_ =	shalt  }
0x71: {  	_ =	shalt  }
0x72: {  	_ =	shalt  }
0x73: {  	_ =	shalt  }
0x74: {  	_ =	shalt  }
0x75: {  	_ =	shalt  }
0x76: {  	_ =	shalt  }
0x77: {  	_ =	shalt  }
0x78: {  	_ =	shalt  }
0x79: {  	_ =	shalt  }
0x7a: {  	_ =	shalt  }
0x7b: {  	_ =	shalt  }
0x7c: {  	_ =	shalt  }
0x7d: {  	_ =	shalt  }
0x7e: {  	_ =	shalt  }
0x7f: {  	_ =	shalt  }
0x80: {  	_ =	shalt  }
0x81: {  	_ =	shalt  }
0x82: {  	_ =	shalt  }
0x83: {  	_ =	shalt  }
0x84: {  	_ =	shalt  }
0x85: {  	_ =	shalt  }
0x86: {  	_ =	shalt  }
0x87: {  	_ =	shalt  }
.Lfunc_end0:
.L_simem_size_0:
called_computation.1_lowered:
.L_overlay_start_0:
0x88: {  	s2 =	sld [smem:$0x3FD9]  }
0x89: {  	s3 =	sld [smem:$0x3FFE];
	_ =	sdelay $0x1  }
0x8a: {  	s1 =	srdreg.scid  }
0x8b: {  	s0 =	sand.u32 $0x1, s1  }
0x8c: {  	s17 =	sshll.u32 s0, $0xA;
	s2 =	sadd.s32 s3, s2  }
0x8d: {  	s2 =	sadd.s32 s2, s17  }
0x8e: {  	[smem:$0x3FC6] =	sst s2  }
0x8f: {  	_ = 	snop  }
0x90: {  	s2 =	sld [smem:$0x3FD0];
	(tm) =	ssettm $0x1  }
0x91: {  	s18 =	sld [smem:$0x3FFB];
	_ =	sdelay $0x3  }
0x92: {  	_ =	strace s18  }
0x93: {  	s3 =	sld [smem:$0x3FFC];
	_ =	sdelay $0x3  }
0x94: {  	_ =	strace s3  }
0x95: {  	s3 =	sld [smem:$0x3FFD];
	_ =	sdelay $0x3  }
0x96: {  	_ =	strace s3  }
0x97: {  	_ =	strace $0x8FFFFFFF  }
0x98: {  	s19 =	sld [smem:$0x3FDB];
	_ =	sdelay $0x1  }
0x99: {  	s4 =	simm.s32 $_scs_section_size  }
0x9a: {  	s5 =	simm.s32 $_size__tile_overlayer_lowered;
	s6 =	simm.s32 $_tile_overlayer_lowered  }
0x9b: {  	s22 =	simm.s32 $0x1BFF;
	s21 =	sshll.u32 s6, $0x1;
	s3 =	sadd.s32 s4, s19  }
0x9c: {  	s7 =	simm.s32 $0x0;
	s20 =	sshll.u32 s5, $0x1;
	s5 =	sadd.s32 s21, s3  }
0x9d: {  	[timem:s7], [sflag:s22] =	dma.local [hbm:s5], s20  }
0x9e: {  	_ =	swait.ge [sflag:s22], s20  }
0x9f: {  	s4 =	ssub.s32 $0x0, s20;
	[sflag:s22] =	ssyncset.done $0x0  }
0xa0: {  	[sflag:s22] =	ssyncadd.s32 s4;
	_ =	sdelay $0x1  }
0xa1: {  	s23 =	simm.s32 $0x1B8B  }
0xa2: {  	_ =	swait.ge [sflag:s23], $0x1  }
0xa3: {  	[sflag:s23] =	ssyncset.done $0x0  }
0xa4: {  	s25 =	simm.s32 $0x1B8E;
	s24 =	sld [smem:$0x3FFE];
	[sflag:s23] =	ssyncadd.s32 $0xFFFFFFFF  }
0xa5: {  	s26 =	simm.s32 $execute0_lowered;
	[smem:$0x3FD2] =	sst s25  }
0xa6: {  	s5 =	sshll.u32 s26, $0x1;
	_ =	strace $0x80000046;
	[dreg:$0x1] =	wrdreg $0xFFFFFFFF  }
0xa7: {  	s28 =	simm.s32 $_size_execute0_lowered;
	s3 =	sadd.s32 s3, s5;
	[dreg:$0x0] =	wrdreg $0x0  }
0xa8: {  	s5 =	sshll.u32 s28, $0x1;
	[dreg:$0x2] =	wrdreg s3  }
0xa9: {  	[dreg:$0x3] =	wrdreg s5  }
0xaa: {  	[dreg:$0x4] =	wrdreg $0xC0  }
0xab: {  	_ =	task [dreg:s7], $0x5FFFF  }
0xac: {  	[dreg:$0x1] =	wrdreg $0xFFFFFFFF  }
0xad: {  	[dreg:$0x0] =	wrdreg $0x60  }
0xae: {  	[dreg:$0x2] =	wrdreg s24  }
0xaf: {  	[dreg:$0x3] =	wrdreg s2  }
0xb0: {  	[dreg:$0x4] =	wrdreg $0x9  }
0xb1: {  	_ =	task.clear_ibuf [dreg:s7], $0x5FFFF;
	_ =	strace $0x90000046  }
0xb2: {  	s29 =	simm.s32 $0x9;
	_ =	strace $0x80000048  }
0xb3: {  	_ =	swait.ge [sflag:s29], $0x1  }
0xb4: {  	[sflag:s29] =	ssyncadd.s32 $0xFFFFFFFF  }
0xb5: {  	_ =	strace $0x90000048  }
0xb6: {  	_ =	sfence  }
0xb7: {  	s30 =	sld [smem:$0x0];
	_ =	sdelay $0x2  }
0xb8: {  	s31 =	sshll.u32 s1, $0xD;
	s1 =	sshrl.u32 s1, $0x2  }
0xb9: {  	s3 =	sand.u32 $0x4000, s31;
	s1 =	sadd.s32 s1, s30  }
0xba: {  	s0 =	sor.u32 s3, s0;
	s1 =	sshll.u32 s1, $0x11  }
0xbb: {  	s0 =	sor.u32 s1, s0  }
0xbc: {  	s0 =	sadd.s32 $0x8F2B, s0  }
0xbd: {  	[sflag:s0] =	ssyncadd.remote.s32 $0x1  }
0xbe: {  	_ =	sfence.sel $0xFFFF  }
0xbf: {  	[dreg:$0x0] =	wrdreg $0xFFFFFFFF;
	(pc) =	sbr.abs _section_cstart, $3  }
0xc0: {  	[dreg:$0x1] =	wrdreg $0xFFFFFFFF  }
0xc1: {  	_ =	task.clear_ibuf [dreg:s7], $0x2FFFF;
	_ =	strace $0x9FFFFFFF  }
0xc2: {  	(tm) =	ssettm $0x7FFFFFFF  }
0xc3: {  	_ =	shalt  }
tec
execute0_lowered:
.L_overlay_start_1:
0x0: {  	(tag) =	ssettag $0x1  }
0x1: {  	s4 =	rddreg [dreg:$0x0];
	s1 =	srdreg.scid  }
0x2: {  	s0 =	stileid.u32;
	s2 =	rddreg [dreg:$0x1];
	s3 =	simm.s32 $0x0  }
0x3: {  	s9 =	simm.s32 $0x80;
	s10 =	simm.s32 $0x6400;
	s11 =	simm.s32 $0x8400  }
0x4: {  	s12 =	simm.s32 $0x100;
	s13 =	simm.s32 $0xA400;
	s14 =	simm.s32 $0x180  }
0x5: {  	s15 =	simm.s32 $0xC400;
	s16 =	simm.s32 $0xE400;
	s17 =	simm.s32 $0x10400  }
0x6: {  	s18 =	simm.s32 $0x12400;
	s19 =	simm.s32 $0x14400;
	s20 =	simm.s32 $0x1  }
0x7: {  	s21 =	simm.s32 $0x2;
	s5 =	sand.u32 $0x1, s1;
	s6 =	sshll.u32 s0, $0x1  }
0x8: {  	s22 =	simm.s32 $0x0;
	s1 =	rddreg [dreg:$0x2];
	s6 =	sor.u32 s5, s6  }
0x9: {  	[smem:$0x7FF] =	sst s3;
	s5 =	ssub.s32 $0x2, s5;
	s7 =	smul.u32 $0xC80, s6  }
0xa: {  	_ =	strace $0x80000047;
	s8 =	sshrl.u32 s5, $0x1;
	s6 =	smul.u32 $0x190000, s6  }
0xb: {  	s8 =	ssub.s32 s5, s8;
	s7 =	sadd.s32 s7, s4;
	s4 =	sadd.s32 $0xF42E00, s4  }
0xc: {  	s5 =	sadd.s32 $0xA00, s7;
	s7 =	smax.u32 s8, $0x1;
	s8 =	simm.s32 $0x3  }
.LBB2_1:
0xd: {  	[tilespmem:s3], [sflag:$0x3] =	stream.linear.gather [hbm4b:s5+s3], $0x6400, $0x38;
	[tilespmem:$0x16400] =	vst v63  }
0xe: {  	_ =	swait.ge [sflag:s8], $0x6400  }
0xf: {  	[sflag:s8] =	ssyncset.done $0x0  }
0x10: {  	[sflag:s8] =	ssyncadd.s32 $0xFFFF9C00  }
0x11: {  	[tilespmem:s10], [sflag:$0x1] =	stream.indirect.gather [hbm4b:s4+s9], $0x40, s3, s9, $0xb8;
	[tilespmem:$0x16400] =	vst v63  }
0x12: {  	_ = 	snop  }
0x13: {  	[tilespmem:s11], [sflag:$0x1] =	stream.indirect.gather [hbm4b:s4+s9], $0x40, s9, s9, $0xb8;
	[tilespmem:$0x16400] =	vst v63  }
0x14: {  	_ = 	snop  }
0x15: {  	[tilespmem:s13], [sflag:$0x1] =	stream.indirect.gather [hbm4b:s4+s9], $0x40, s12, s9, $0xb8;
	[tilespmem:$0x16400] =	vst v63  }
0x16: {  	s23 =	simm.s32 $0x0  }
0x17: {  	[tilespmem:s15], [sflag:$0x1] =	stream.indirect.gather [hbm4b:s4+s9], $0x40, s14, s9, $0xb8;
	[tilespmem:$0x16400] =	vst v63  }
.LBB2_2:
0x18: {  	p0 =	seq.s32 s23, $0x0  }
0x19: {  	s24 =	sshll.u32 s23, $0x1;
	s25 =	simm.s32 @!p0 $0x2  }
0x1a: {  	s24 =	sor.u32 $0x1, s24;
	_ =	swait.ge @!p0 [sflag:s25], $0x8000  }
0x1b: {  	s26 =	sshll.u32 s24, $0x9;
	[sflag:s25] =	ssyncset.done @!p0 $0x0  }
0x1c: {  	s30 =	sand.u32 $0x3FFFFE00, s26;
	[sflag:s25] =	ssyncadd.s32 @!p0 $0xFFFF8000  }
0x1d: {  	[tilespmem:s16], [sflag:$0x1] =	stream.indirect.gather [hbm4b:s4+s9], $0x40, s30, s9, $0xb8;
	[tilespmem:$0x16400] =	vst v63  }
0x1e: {  	s26 =	sor.u32 $0x80, s30  }
0x1f: {  	[tilespmem:s17], [sflag:$0x1] =	stream.indirect.gather [hbm4b:s4+s9], $0x40, s26, s9, $0xb8;
	[tilespmem:$0x16400] =	vst v63  }
0x20: {  	s31 =	sor.u32 $0x100, s30  }
0x21: {  	[tilespmem:s18], [sflag:$0x1] =	stream.indirect.gather [hbm4b:s4+s9], $0x40, s31, s9, $0xb8;
	[tilespmem:$0x16400] =	vst v63  }
0x22: {  	s25 =	sor.u32 $0x180, s30  }
0x23: {  	[tilespmem:s19], [sflag:$0x1] =	stream.indirect.gather [hbm4b:s4+s9], $0x40, s25, s9, $0xb8;
	[tilespmem:$0x16400] =	vst v63  }
0x24: {  	_ =	swait.ge [sflag:s20], $0x2000  }
0x25: {  	[sflag:s20] =	ssyncset.done $0x0  }
0x26: {  	[sflag:s20] =	ssyncadd.s32 $0xFFFFE000  }
0x27: {  	_ =	swait.ge [sflag:s20], $0x2000  }
0x28: {  	[sflag:s20] =	ssyncset.done $0x0  }
0x29: {  	[sflag:s20] =	ssyncadd.s32 $0xFFFFE000  }
0x2a: {  	_ =	swait.ge [sflag:s20], $0x2000  }
0x2b: {  	[sflag:s20] =	ssyncset.done $0x0  }
0x2c: {  	[sflag:s20] =	ssyncadd.s32 $0xFFFFE000  }
0x2d: {  	_ =	swait.ge [sflag:s20], $0x2000  }
0x2e: {  	[sflag:s20] =	ssyncset.done $0x0  }
0x2f: {  	s25 =	simm.s32 $0x6500;
	[sflag:s20] =	ssyncadd.s32 $0xFFFFE000  }
0x30: {  	v0 =	vld [tilespmem:s25+$0xFFFFFF00]  }
0x31: {  	v1 =	vld [tilespmem:s25+$0xFFFFFF10]  }
0x32: {  	v2 =	vld [tilespmem:s25+$0xFFFFFF20]  }
0x33: {  	v3 =	vld [tilespmem:s25+$0xFFFFFF30]  }
0x34: {  	v4 =	vld [tilespmem:s25+$0xFFFFFF40]  }
0x35: {  	v5 =	vld [tilespmem:s25+$0xFFFFFF50];
	v0 =	vmul.f32 $8.000000000e+00, v0  }
0x36: {  	v6 =	vld [tilespmem:s25+$0xFFFFFF60];
	v1 =	vmul.f32 $8.000000000e+00, v1  }
0x37: {  	[tilespmem:s25+$0xFFFFFF00] =	vst v0;
	v0 =	vmul.f32 $8.000000000e+00, v2;
	v2 =	vld [tilespmem:s25+$0xFFFFFF70]  }
0x38: {  	[tilespmem:s25+$0xFFFFFF10] =	vst v1;
	v1 =	vmul.f32 $8.000000000e+00, v3;
	v3 =	vld [tilespmem:s25+$0xFFFFFF80]  }
0x39: {  	[tilespmem:s25+$0xFFFFFF20] =	vst v0;
	v0 =	vmul.f32 $8.000000000e+00, v4;
	v4 =	vld [tilespmem:s25+$0xFFFFFF90]  }
0x3a: {  	[tilespmem:s25+$0xFFFFFF30] =	vst v1;
	v1 =	vmul.f32 $8.000000000e+00, v5;
	v5 =	vld [tilespmem:s25+$0xFFFFFFA0]  }
0x3b: {  	[tilespmem:s25+$0xFFFFFF40] =	vst v0;
	v0 =	vmul.f32 $8.000000000e+00, v6;
	v6 =	vld [tilespmem:s25+$0xFFFFFFB0]  }
0x3c: {  	[tilespmem:s25+$0xFFFFFF50] =	vst v1;
	v1 =	vmul.f32 $8.000000000e+00, v2;
	v2 =	vld [tilespmem:s25+$0xFFFFFFC0]  }
0x3d: {  	[tilespmem:s25+$0xFFFFFF60] =	vst v0;
	v0 =	vmul.f32 $8.000000000e+00, v3;
	v3 =	vld [tilespmem:s25+$0xFFFFFFD0]  }
0x3e: {  	[tilespmem:s25+$0xFFFFFF70] =	vst v1;
	v1 =	vmul.f32 $8.000000000e+00, v4;
	v4 =	vld [tilespmem:s25+$0xFFFFFFE0]  }
0x3f: {  	[tilespmem:s25+$0xFFFFFF80] =	vst v0;
	v0 =	vmul.f32 $8.000000000e+00, v5;
	v5 =	vld [tilespmem:s25+$0x0]  }
0x40: {  	[tilespmem:s25+$0xFFFFFF90] =	vst v1;
	v1 =	vmul.f32 $8.000000000e+00, v6;
	v6 =	vld [tilespmem:s25+$0x10]  }
0x41: {  	[tilespmem:s25+$0xFFFFFFA0] =	vst v0;
	v0 =	vmul.f32 $8.000000000e+00, v2;
	v2 =	vld [tilespmem:s25+$0x20]  }
0x42: {  	[tilespmem:s25+$0xFFFFFFB0] =	vst v1;
	v1 =	vmul.f32 $8.000000000e+00, v3;
	v3 =	vld [tilespmem:s25+$0x30]  }
0x43: {  	[tilespmem:s25+$0xFFFFFFC0] =	vst v0;
	v0 =	vmul.f32 $8.000000000e+00, v4;
	v4 =	vld [tilespmem:s25+$0x40]  }
0x44: {  	[tilespmem:s25+$0xFFFFFFD0] =	vst v1;
	v1 =	vmul.f32 $8.000000000e+00, v5;
	v5 =	vld [tilespmem:s25+$0x50]  }
0x45: {  	[tilespmem:s25+$0xFFFFFFE0] =	vst v0;
	v0 =	vmul.f32 $8.000000000e+00, v6;
	v6 =	vld [tilespmem:s25+$0x60]  }
0x46: {  	[tilespmem:s25+$0x0] =	vst v1;
	v1 =	vmul.f32 $8.000000000e+00, v2;
	v2 =	vld [tilespmem:s25+$0x70]  }
0x47: {  	[tilespmem:s25+$0x10] =	vst v0;
	v0 =	vmul.f32 $8.000000000e+00, v3;
	v3 =	vld [tilespmem:s25+$0x80]  }
0x48: {  	[tilespmem:s25+$0x20] =	vst v1;
	v1 =	vmul.f32 $8.000000000e+00, v4;
	v4 =	vld [tilespmem:s25+$0x90]  }
0x49: {  	[tilespmem:s25+$0x30] =	vst v0;
	v0 =	vmul.f32 $8.000000000e+00, v5;
	v5 =	vld [tilespmem:s25+$0xA0]  }
0x4a: {  	[tilespmem:s25+$0x40] =	vst v1;
	v1 =	vmul.f32 $8.000000000e+00, v6;
	v6 =	vld [tilespmem:s25+$0xB0]  }
0x4b: {  	[tilespmem:s25+$0x50] =	vst v0;
	v2 =	vmul.f32 $8.000000000e+00, v2;
	v0 =	vld [tilespmem:s25+$0xC0]  }
0x4c: {  	[tilespmem:s25+$0x60] =	vst v1;
	v3 =	vmul.f32 $8.000000000e+00, v3;
	v1 =	vld [tilespmem:s25+$0xD0]  }
0x4d: {  	[tilespmem:s25+$0x70] =	vst v2;
	v7 =	vmul.f32 $8.000000000e+00, v4;
	v2 =	vld [tilespmem:s25+$0xE0]  }
0x4e: {  	[tilespmem:s25+$0x80] =	vst v3;
	v3 =	vld [tilespmem:s25+$0xF0];
	v5 =	vmul.f32 $8.000000000e+00, v5  }
0x4f: {  	s28 =	simm.s32 $0x6700;
	s26 =	simm.s32 $0x0;
	v4 =	vld [tilespmem:s25+$0xFFFFFFF0];
	[tilespmem:s25+$0x90] =	vst v7;
	v6 =	vmul.f32 $8.000000000e+00, v6  }
.LBB2_3:
0x50: {  	v7 =	vld [tilespmem:s28+$0xFFFFFF00];
	[tilespmem:s25+$0xA0] =	vst v5;
	v0 =	vmul.f32 $8.000000000e+00, v0  }
0x51: {  	v5 =	vld [tilespmem:s28+$0xFFFFFF10];
	[tilespmem:s25+$0xB0] =	vst v6;
	v1 =	vmul.f32 $8.000000000e+00, v1  }
0x52: {  	v6 =	vld [tilespmem:s28+$0xFFFFFF20];
	[tilespmem:s25+$0xC0] =	vst v0;
	v0 =	vmul.f32 $8.000000000e+00, v2  }
0x53: {  	v2 =	vld [tilespmem:s28+$0xFFFFFF30];
	[tilespmem:s25+$0xD0] =	vst v1;
	v1 =	vmul.f32 $8.000000000e+00, v3  }
0x54: {  	v3 =	vld [tilespmem:s28+$0xFFFFFF40];
	v4 =	vmul.f32 $8.000000000e+00, v4;
	[tilespmem:s25+$0xE0] =	vst v0  }
0x55: {  	v0 =	vmul.f32 $8.000000000e+00, v7;
	v7 =	vld [tilespmem:s28+$0xFFFFFF50];
	[tilespmem:s25+$0xF0] =	vst v1  }
0x56: {  	v1 =	vmul.f32 $8.000000000e+00, v5;
	v5 =	vld [tilespmem:s28+$0xFFFFFF60];
	[tilespmem:s25+$0xFFFFFFF0] =	vst v4;
	s25 =	smov.u32 s28  }
0x57: {  	[tilespmem:s28+$0xFFFFFF00] =	vst v0;
	v0 =	vmul.f32 $8.000000000e+00, v6;
	v4 =	vld [tilespmem:s28+$0xFFFFFF70]  }
0x58: {  	[tilespmem:s28+$0xFFFFFF10] =	vst v1;
	v1 =	vmul.f32 $8.000000000e+00, v2;
	v2 =	vld [tilespmem:s28+$0xFFFFFF80]  }
0x59: {  	[tilespmem:s28+$0xFFFFFF20] =	vst v0;
	v0 =	vmul.f32 $8.000000000e+00, v3;
	v3 =	vld [tilespmem:s28+$0xFFFFFF90]  }
0x5a: {  	[tilespmem:s28+$0xFFFFFF30] =	vst v1;
	v1 =	vmul.f32 $8.000000000e+00, v7;
	v6 =	vld [tilespmem:s28+$0xFFFFFFA0]  }
0x5b: {  	[tilespmem:s28+$0xFFFFFF40] =	vst v0;
	v0 =	vmul.f32 $8.000000000e+00, v5;
	v5 =	vld [tilespmem:s28+$0xFFFFFFB0]  }
0x5c: {  	[tilespmem:s28+$0xFFFFFF50] =	vst v1;
	v1 =	vmul.f32 $8.000000000e+00, v4;
	v4 =	vld [tilespmem:s28+$0xFFFFFFC0]  }
0x5d: {  	[tilespmem:s28+$0xFFFFFF60] =	vst v0;
	v0 =	vmul.f32 $8.000000000e+00, v2;
	v2 =	vld [tilespmem:s28+$0xFFFFFFD0]  }
0x5e: {  	[tilespmem:s28+$0xFFFFFF70] =	vst v1;
	v1 =	vmul.f32 $8.000000000e+00, v3;
	v3 =	vld [tilespmem:s28+$0xFFFFFFE0]  }
0x5f: {  	[tilespmem:s28+$0xFFFFFF80] =	vst v0;
	v0 =	vmul.f32 $8.000000000e+00, v6;
	v6 =	vld [tilespmem:s28+$0x0]  }
0x60: {  	[tilespmem:s28+$0xFFFFFF90] =	vst v1;
	v1 =	vmul.f32 $8.000000000e+00, v5;
	v5 =	vld [tilespmem:s28+$0x10]  }
0x61: {  	[tilespmem:s28+$0xFFFFFFA0] =	vst v0;
	v0 =	vmul.f32 $8.000000000e+00, v4;
	v4 =	vld [tilespmem:s28+$0x20]  }
0x62: {  	[tilespmem:s28+$0xFFFFFFB0] =	vst v1;
	v1 =	vmul.f32 $8.000000000e+00, v2;
	v2 =	vld [tilespmem:s28+$0x30]  }
0x63: {  	[tilespmem:s28+$0xFFFFFFC0] =	vst v0;
	v0 =	vmul.f32 $8.000000000e+00, v3;
	v3 =	vld [tilespmem:s28+$0x40]  }
0x64: {  	[tilespmem:s28+$0xFFFFFFD0] =	vst v1;
	v1 =	vmul.f32 $8.000000000e+00, v6;
	v6 =	vld [tilespmem:s28+$0x50]  }
0x65: {  	[tilespmem:s28+$0xFFFFFFE0] =	vst v0;
	v0 =	vmul.f32 $8.000000000e+00, v5;
	v5 =	vld [tilespmem:s28+$0x60]  }
0x66: {  	[tilespmem:s28+$0x0] =	vst v1;
	v1 =	vmul.f32 $8.000000000e+00, v4;
	v4 =	vld [tilespmem:s28+$0x70]  }
0x67: {  	[tilespmem:s28+$0x10] =	vst v0;
	v0 =	vmul.f32 $8.000000000e+00, v2;
	v2 =	vld [tilespmem:s28+$0x80]  }
0x68: {  	[tilespmem:s28+$0x20] =	vst v1;
	v1 =	vmul.f32 $8.000000000e+00, v3;
	v3 =	vld [tilespmem:s28+$0x90]  }
0x69: {  	s26 =	sadd.s32 $0x8, s26;
	[tilespmem:s28+$0x30] =	vst v0;
	v0 =	vmul.f32 $8.000000000e+00, v6;
	v6 =	vld [tilespmem:s28+$0xA0]  }
0x6a: {  	p0 =	slt.u32 s26, $0x1F8;
	[tilespmem:s28+$0x40] =	vst v1;
	v1 =	vmul.f32 $8.000000000e+00, v5;
	v7 =	vld [tilespmem:s28+$0xB0]  }
.Ltmp0:
0x6b: {  	[tilespmem:s28+$0x50] =	vst v0;
	v4 =	vmul.f32 $8.000000000e+00, v4;
	v0 =	vld [tilespmem:s28+$0xC0];
	(pc) =	sbr.rel @p0 .LBB2_3-.Ltmp0, $4  }
0x6c: {  	[tilespmem:s28+$0x60] =	vst v1;
	v5 =	vmul.f32 $8.000000000e+00, v2;
	v1 =	vld [tilespmem:s28+$0xD0]  }
0x6d: {  	[tilespmem:s28+$0x70] =	vst v4;
	v8 =	vmul.f32 $8.000000000e+00, v3;
	v2 =	vld [tilespmem:s28+$0xE0]  }
0x6e: {  	[tilespmem:s28+$0x80] =	vst v5;
	v5 =	vmul.f32 $8.000000000e+00, v6;
	v3 =	vld [tilespmem:s28+$0xF0]  }
0x6f: {  	s28 =	sadd.s32 $0x200, s28;
	v4 =	vld [tilespmem:s25+$0xFFFFFFF0];
	[tilespmem:s25+$0x90] =	vst v8;
	v6 =	vmul.f32 $8.000000000e+00, v7  }
0x70: {  	[tilespmem:s25+$0xA0] =	vst v5;
	v0 =	vmul.f32 $8.000000000e+00, v0  }
0x71: {  	[tilespmem:s25+$0xB0] =	vst v6;
	v1 =	vmul.f32 $8.000000000e+00, v1  }
0x72: {  	[tilespmem:s25+$0xC0] =	vst v0;
	v0 =	vmul.f32 $8.000000000e+00, v2  }
0x73: {  	s26 =	sshll.u32 s23, $0x10;
	[tilespmem:s25+$0xD0] =	vst v1;
	v1 =	vmul.f32 $8.000000000e+00, v3  }
0x74: {  	s26 =	sadd.s32 s6, s26;
	v2 =	vmul.f32 $8.000000000e+00, v4;
	[tilespmem:s25+$0xE0] =	vst v0  }
0x75: {  	s26 =	sshrl.u32 s26, $0x3;
	[tilespmem:s25+$0xF0] =	vst v1  }
0x76: {  	p0 =	seq.s32 s23, $0x18;
	s31 =	sadd.s32 s2, s26;
	[tilespmem:s25+$0xFFFFFFF0] =	vst v2  }
0x77: {  	[hbm4b:s31+s3] =	stream.linear.scatter [tilespmem:s10], [sflag:$0x2], $0x8000, $0x38;
	[tilespmem:$0x16400] =	vst v63  }
0x78: {  	s25 =	sshll.u32 @!p0 s23, $0xA;
	_ =	swait.ge [sflag:s21], $0x8000  }
0x79: {  	s28 =	simm.s32 @!p0 $0x80;
	s25 =	sand.u32 @!p0 $0x3FFFFC00, s25;
	[sflag:s21] =	ssyncset.done $0x0  }
0x7a: {  	s29 =	simm.s32 @!p0 $0x6400;
	s26 =	sadd.s32 @!p0 $0x400, s25;
	[sflag:s21] =	ssyncadd.s32 $0xFFFF8000  }
0x7b: {  	[tilespmem:s29], [sflag:$0x1] =	stream.indirect.gather @!p0 [hbm4b:s4+s28], $0x40, s26, s28, $0xb8;
	[tilespmem:$0x16400] =	vst v63  }
0x7c: {  	s26 =	sadd.s32 @!p0 $0x480, s25;
	s29 =	simm.s32 @!p0 $0x8400  }
0x7d: {  	[tilespmem:s29], [sflag:$0x1] =	stream.indirect.gather @!p0 [hbm4b:s4+s28], $0x40, s26, s28, $0xb8;
	[tilespmem:$0x16400] =	vst v63  }
0x7e: {  	s26 =	sadd.s32 @!p0 $0x500, s25;
	s29 =	simm.s32 @!p0 $0xA400  }
0x7f: {  	[tilespmem:s29], [sflag:$0x1] =	stream.indirect.gather @!p0 [hbm4b:s4+s28], $0x40, s26, s28, $0xb8;
	[tilespmem:$0x16400] =	vst v63  }
0x80: {  	s25 =	sadd.s32 @!p0 $0x580, s25;
	s26 =	simm.s32 @!p0 $0xC400  }
0x81: {  	[tilespmem:s26], [sflag:$0x1] =	stream.indirect.gather @!p0 [hbm4b:s4+s28], $0x40, s25, s28, $0xb8;
	[tilespmem:$0x16400] =	vst v63  }
0x82: {  	_ =	swait.ge [sflag:s20], $0x2000  }
0x83: {  	[sflag:s20] =	ssyncset.done $0x0  }
0x84: {  	[sflag:s20] =	ssyncadd.s32 $0xFFFFE000  }
0x85: {  	_ =	swait.ge [sflag:s20], $0x2000  }
0x86: {  	[sflag:s20] =	ssyncset.done $0x0  }
0x87: {  	[sflag:s20] =	ssyncadd.s32 $0xFFFFE000  }
0x88: {  	_ =	swait.ge [sflag:s20], $0x2000  }
0x89: {  	[sflag:s20] =	ssyncset.done $0x0  }
0x8a: {  	[sflag:s20] =	ssyncadd.s32 $0xFFFFE000  }
0x8b: {  	_ =	swait.ge [sflag:s20], $0x2000  }
0x8c: {  	[sflag:s20] =	ssyncset.done $0x0  }
0x8d: {  	s25 =	simm.s32 $0xE400;
	[sflag:s20] =	ssyncadd.s32 $0xFFFFE000  }
0x8e: {  	v0 =	vld [tilespmem:s25+$0x1A0]  }
0x8f: {  	v1 =	vld [tilespmem:s25+$0xA0]  }
0x90: {  	v2 =	vld [tilespmem:s25+$0x90]  }
0x91: {  	v3 =	vld [tilespmem:s25+$0x80]  }
0x92: {  	v4 =	vld [tilespmem:s25+$0xB0]  }
0x93: {  	v5 =	vld [tilespmem:s25+$0x70]  }
0x94: {  	v6 =	vld [tilespmem:s25+$0xC0]  }
0x95: {  	v12 =	vld [tilespmem:s25+$0x60]  }
0x96: {  	v7 =	vld [tilespmem:s25+$0xD0]  }
0x97: {  	v8 =	vld [tilespmem:s25+$0xE0]  }
0x98: {  	v9 =	vld [tilespmem:s25+$0x1D0]  }
0x99: {  	v10 =	vld [tilespmem:s25+$0x1E0]  }
0x9a: {  	v11 =	vld [tilespmem:s25+$0x0]  }
0x9b: {  	v13 =	vld [tilespmem:s25+$0xF0]  }
0x9c: {  	v14 =	vld [tilespmem:s25+$0x100];
	v0 =	vmul.f32 $8.000000000e+00, v0  }
0x9d: {  	v15 =	vld [tilespmem:s25+$0x110];
	v9 =	vmul.f32 $8.000000000e+00, v9  }
0x9e: {  	v16 =	vld [tilespmem:s25+$0x120];
	v17 =	vmul.f32 $8.000000000e+00, v8;
	[tilespmem:s25+$0x1A0] =	vst v0  }
0x9f: {  	v18 =	vld [tilespmem:s25+$0x30];
	v20 =	vmul.f32 $8.000000000e+00, v6;
	[tilespmem:s25+$0x1D0] =	vst v9  }
0xa0: {  	v21 =	vld [tilespmem:s25+$0x10];
	v0 =	vmul.f32 $8.000000000e+00, v10;
	[tilespmem:s25+$0xE0] =	vst v17  }
0xa1: {  	v10 =	vmul.f32 $8.000000000e+00, v11;
	v11 =	vld [tilespmem:s25+$0x130];
	[tilespmem:s25+$0xC0] =	vst v20  }
0xa2: {  	v9 =	vmul.f32 $8.000000000e+00, v13;
	v13 =	vld [tilespmem:s25+$0x140];
	[tilespmem:s25+$0x1E0] =	vst v0  }
0xa3: {  	[tilespmem:s25+$0x0] =	vst v10;
	v0 =	vmul.f32 $8.000000000e+00, v14;
	v10 =	vld [tilespmem:s25+$0x150]  }
0xa4: {  	[tilespmem:s25+$0xF0] =	vst v9;
	v9 =	vmul.f32 $8.000000000e+00, v15;
	v14 =	vld [tilespmem:s25+$0x1F0]  }
0xa5: {  	v8 =	vmul.f32 $8.000000000e+00, v1;
	v15 =	vld [tilespmem:s25+$0x50];
	[tilespmem:s25+$0x100] =	vst v0;
	v0 =	vmul.f32 $8.000000000e+00, v16  }
0xa6: {  	v19 =	vld [tilespmem:s25+$0x20];
	v6 =	vmul.f32 $8.000000000e+00, v12;
	[tilespmem:s25+$0x110] =	vst v9;
	v9 =	vmul.f32 $8.000000000e+00, v11  }
0xa7: {  	v22 =	vld [tilespmem:s25+$0x1B0];
	v1 =	vmul.f32 $8.000000000e+00, v21;
	[tilespmem:s25+$0x120] =	vst v0;
	v0 =	vmul.f32 $8.000000000e+00, v13  }
0xa8: {  	v16 =	vld [tilespmem:s25+$0x40];
	v13 =	vmul.f32 $8.000000000e+00, v7;
	[tilespmem:s25+$0x130] =	vst v9;
	v7 =	vmul.f32 $8.000000000e+00, v10  }
0xa9: {  	v11 =	vld [tilespmem:s25+$0x190];
	v9 =	vmul.f32 $8.000000000e+00, v2;
	v10 =	vmul.f32 $8.000000000e+00, v3;
	[tilespmem:s25+$0x140] =	vst v0  }
0xaa: {  	v12 =	vld [tilespmem:s25+$0x1C0];
	v3 =	vmul.f32 $8.000000000e+00, v15;
	v0 =	vmul.f32 $8.000000000e+00, v14;
	[tilespmem:s25+$0xD0] =	vst v13  }
0xab: {  	v2 =	vmul.f32 $8.000000000e+00, v18;
	v14 =	vmul.f32 $8.000000000e+00, v4;
	v13 =	vld [tilespmem:s25+$0x180];
	[tilespmem:s25+$0x150] =	vst v7  }
0xac: {  	v15 =	vld [tilespmem:s25+$0x170];
	v4 =	vmul.f32 $8.000000000e+00, v19;
	v7 =	vmul.f32 $8.000000000e+00, v5;
	[tilespmem:s25+$0x1F0] =	vst v0  }
0xad: {  	s26 =	simm.s32 $0x0;
	s28 =	simm.s32 $0xE600;
	v5 =	vmul.f32 $8.000000000e+00, v22;
	v0 =	vmul.f32 $8.000000000e+00, v16;
	[tilespmem:s25+$0xB0] =	vst v14;
	v14 =	vld [tilespmem:s25+$0x160]  }
.LBB2_5:
0xae: {  	v16 =	vld [tilespmem:s28+$0x1A0];
	s26 =	sadd.s32 $0x8, s26;
	[tilespmem:s25+$0xA0] =	vst v8;
	v8 =	vmul.f32 $8.000000000e+00, v11  }
0xaf: {  	v11 =	vld [tilespmem:s28+$0xA0];
	p0 =	slt.u32 s26, $0x1F8;
	[tilespmem:s25+$0x90] =	vst v9;
	v9 =	vmul.f32 $8.000000000e+00, v12  }
0xb0: {  	v12 =	vld [tilespmem:s28+$0x90];
	[tilespmem:s25+$0x80] =	vst v10;
	v10 =	vmul.f32 $8.000000000e+00, v13  }
0xb1: {  	v13 =	vld [tilespmem:s28+$0x80];
	v15 =	vmul.f32 $8.000000000e+00, v15;
	[tilespmem:s25+$0x1C0] =	vst v9  }
0xb2: {  	v9 =	vld [tilespmem:s28+$0xB0];
	[tilespmem:s25+$0x70] =	vst v7;
	v7 =	vmul.f32 $8.000000000e+00, v14  }
0xb3: {  	v14 =	vld [tilespmem:s28+$0x70];
	v16 =	vmul.f32 $8.000000000e+00, v16;
	[tilespmem:s25+$0x180] =	vst v10  }
0xb4: {  	v10 =	vld [tilespmem:s28+$0xC0];
	[tilespmem:s25+$0x60] =	vst v6  }
0xb5: {  	v6 =	vld [tilespmem:s28+$0x60];
	[tilespmem:s25+$0x170] =	vst v15  }
0xb6: {  	v15 =	vld [tilespmem:s28+$0xD0];
	[tilespmem:s25+$0x50] =	vst v3  }
0xb7: {  	v3 =	vld [tilespmem:s28+$0xE0];
	[tilespmem:s25+$0x160] =	vst v7  }
0xb8: {  	v7 =	vld [tilespmem:s28+$0x1D0];
	[tilespmem:s25+$0x40] =	vst v0  }
0xb9: {  	v0 =	vld [tilespmem:s28+$0x1E0];
	[tilespmem:s25+$0x30] =	vst v2  }
0xba: {  	v2 =	vld [tilespmem:s28+$0x0];
	[tilespmem:s25+$0x20] =	vst v4  }
0xbb: {  	v4 =	vld [tilespmem:s28+$0xF0];
	[tilespmem:s25+$0x190] =	vst v8  }
0xbc: {  	v8 =	vld [tilespmem:s28+$0x100];
	[tilespmem:s25+$0x10] =	vst v1  }
0xbd: {  	v1 =	vld [tilespmem:s28+$0x110];
	v7 =	vmul.f32 $8.000000000e+00, v7;
	[tilespmem:s25+$0x1B0] =	vst v5;
	s25 =	smov.u32 s28  }
0xbe: {  	v5 =	vld [tilespmem:s28+$0x120];
	[tilespmem:s28+$0x1A0] =	vst v16;
	v0 =	vmul.f32 $8.000000000e+00, v0  }
0xbf: {  	v16 =	vmul.f32 $8.000000000e+00, v3;
	v2 =	vmul.f32 $8.000000000e+00, v2;
	v3 =	vld [tilespmem:s28+$0x130];
	[tilespmem:s28+$0x1D0] =	vst v7  }
0xc0: {  	v15 =	vmul.f32 $8.000000000e+00, v15;
	v4 =	vmul.f32 $8.000000000e+00, v4;
	v7 =	vld [tilespmem:s28+$0x140];
	[tilespmem:s28+$0x1E0] =	vst v0  }
0xc1: {  	v17 =	vmul.f32 $8.000000000e+00, v10;
	[tilespmem:s28+$0x0] =	vst v2;
	v0 =	vmul.f32 $8.000000000e+00, v8;
	v2 =	vld [tilespmem:s28+$0x150]  }
0xc2: {  	v18 =	vmul.f32 $8.000000000e+00, v9;
	[tilespmem:s28+$0xF0] =	vst v4;
	v1 =	vmul.f32 $8.000000000e+00, v1;
	v4 =	vld [tilespmem:s28+$0x1F0]  }
0xc3: {  	v8 =	vmul.f32 $8.000000000e+00, v11;
	v19 =	vld [tilespmem:s28+$0x50];
	[tilespmem:s28+$0x100] =	vst v0;
	v0 =	vmul.f32 $8.000000000e+00, v5  }
0xc4: {  	v9 =	vmul.f32 $8.000000000e+00, v12;
	v5 =	vld [tilespmem:s28+$0x40];
	[tilespmem:s28+$0x110] =	vst v1;
	v1 =	vmul.f32 $8.000000000e+00, v3  }
0xc5: {  	v10 =	vmul.f32 $8.000000000e+00, v13;
	v12 =	vld [tilespmem:s28+$0x30];
	[tilespmem:s28+$0x120] =	vst v0;
	v0 =	vmul.f32 $8.000000000e+00, v7  }
0xc6: {  	v7 =	vmul.f32 $8.000000000e+00, v14;
	v13 =	vld [tilespmem:s28+$0x20];
	[tilespmem:s28+$0x130] =	vst v1;
	v1 =	vmul.f32 $8.000000000e+00, v2  }
0xc7: {  	v6 =	vmul.f32 $8.000000000e+00, v6;
	v14 =	vld [tilespmem:s28+$0x10];
	[tilespmem:s28+$0x140] =	vst v0;
	v2 =	vmul.f32 $8.000000000e+00, v4  }
0xc8: {  	v3 =	vmul.f32 $8.000000000e+00, v19;
	[tilespmem:s28+$0x150] =	vst v1;
	v19 =	vld [tilespmem:s28+$0x1B0]  }
.Ltmp1:
0xc9: {  	v0 =	vmul.f32 $8.000000000e+00, v5;
	v11 =	vld [tilespmem:s28+$0x190];
	[tilespmem:s28+$0x1F0] =	vst v2;
	(pc) =	sbr.rel @p0 .LBB2_5-.Ltmp1, $4  }
0xca: {  	v2 =	vmul.f32 $8.000000000e+00, v12;
	[tilespmem:s28+$0xE0] =	vst v16;
	v12 =	vld [tilespmem:s28+$0x1C0]  }
0xcb: {  	v4 =	vmul.f32 $8.000000000e+00, v13;
	[tilespmem:s28+$0xD0] =	vst v15;
	v13 =	vld [tilespmem:s28+$0x180]  }
0xcc: {  	v1 =	vmul.f32 $8.000000000e+00, v14;
	[tilespmem:s28+$0xC0] =	vst v17;
	v15 =	vld [tilespmem:s28+$0x170]  }
0xcd: {  	s28 =	sadd.s32 $0x200, s28;
	[tilespmem:s25+$0xB0] =	vst v18;
	v14 =	vld [tilespmem:s25+$0x160];
	v5 =	vmul.f32 $8.000000000e+00, v19  }
0xce: {  	[tilespmem:s25+$0xA0] =	vst v8  }
0xcf: {  	[tilespmem:s25+$0x90] =	vst v9  }
0xd0: {  	[tilespmem:s25+$0x80] =	vst v10  }
0xd1: {  	[tilespmem:s25+$0x70] =	vst v7  }
0xd2: {  	[tilespmem:s25+$0x60] =	vst v6  }
0xd3: {  	[tilespmem:s25+$0x50] =	vst v3  }
0xd4: {  	[tilespmem:s25+$0x40] =	vst v0  }
0xd5: {  	[tilespmem:s25+$0x30] =	vst v2  }
0xd6: {  	[tilespmem:s25+$0x20] =	vst v4  }
0xd7: {  	v63 =	vmul.f32 $8.000000000e+00, v11;
	[tilespmem:s25+$0x10] =	vst v1  }
0xd8: {  	s23 =	sadd.s32 $0x1, s23;
	v59 =	vmul.f32 $8.000000000e+00, v12;
	[tilespmem:s25+$0x1B0] =	vst v5  }
0xd9: {  	p0 =	sne.s32 s23, $0x19;
	v60 =	vmul.f32 $8.000000000e+00, v13;
	[tilespmem:s25+$0x190] =	vst v63  }
.Ltmp2:
0xda: {  	s24 =	sshll.u32 s24, $0xF;
	[tilespmem:s25+$0x1C0] =	vst v59;
	v61 =	vmul.f32 $8.000000000e+00, v15;
	(pc) =	sbr.rel @p0 .LBB2_2-.Ltmp2, $4  }
0xdb: {  	s24 =	sadd.s32 s6, s24;
	[tilespmem:s25+$0x180] =	vst v60;
	v62 =	vmul.f32 $8.000000000e+00, v14  }
0xdc: {  	s24 =	sshrl.u32 s24, $0x3;
	[tilespmem:s25+$0x170] =	vst v61  }
0xdd: {  	s24 =	sadd.s32 s2, s24;
	[tilespmem:s25+$0x160] =	vst v62  }
0xde: {  	[hbm4b:s24+s3] =	stream.linear.scatter [tilespmem:s16], [sflag:$0x2], $0x8000, $0x38;
	[tilespmem:$0x16400] =	vst v63  }
0xdf: {  	s22 =	sadd.s32 $0x1, s22  }
0xe0: {  	p0 =	sne.s32 s22, s7  }
.Ltmp3:
0xe1: {  	_ = 	snop;
	(pc) =	sbr.rel @p0 .LBB2_1-.Ltmp3, $4  }
0xe2: {  	_ = 	snop  }
0xe3: {  	_ =	swait.ge [sflag:s21], $0x8000  }
0xe4: {  	[sflag:s21] =	ssyncset.done $0x0  }
0xe5: {  	[sflag:s21] =	ssyncadd.s32 $0xFFFF8000  }
0xe6: {  	_ =	sfence.sel $0x180000  }
0xe7: {  	[bflag:$0x0] =	sbarrier.arrive $0xFFFF  }
0xe8: {  	p0 =	sne.s32 s0, $0x0;
	_ =	strace $0x90000047  }
0xe9: {  	s0 =	sadd.s32 @!p0 $0x100000, s1;
	[bflag:$0x2] =	sbarrier.arrive $0xFFFF  }
0xea: {  	[sflag:s0] =	ssyncadd.tile.s32 @!p0 $0x1;
	_ =	shalt  }
.Lfunc_end2:
_tile_overlayer_lowered:
.L_overlay_start_2:
0xeb: {  	(tag) =	ssettag $0x2  }
0xec: {  	s0 =	rddreg [dreg:$0x0];
	s2 =	stileid.u32  }
0xed: {  	s1 =	rddreg [dreg:$0x1];
	p0 =	sne.s32 s2, $0x0  }
0xee: {  	s3 =	rddreg [dreg:$0x2];
	[bflag:$0x3] =	sbarrier.arrive $0xFFFF;
	s2 =	simm.s32 @!p0 $0x1C03  }
0xef: {  	[timem:s3], [sflag:s2] =	dma.local @!p0 [hbm:s0], s1  }
0xf0: {  	s0 =	simm.s32 @!p0 $0x3  }
0xf1: {  	_ =	swait.ge @!p0 [sflag:s0], s1  }
0xf2: {  	s1 =	ssub.s32 @!p0 $0x0, s1;
	[sflag:s0] =	ssyncset.done @!p0 $0x0  }
0xf3: {  	[sflag:s0] =	ssyncadd.s32 @!p0 s1  }
0xf4: {  	[bflag:$0x3] =	sbarrier.arrive $0xFFFF  }
0xf5: {  	_ =	shalt  }

// kernel: sparse-core-data-format-call.cloned.1.call-start
scs
called_computation_lowered:
.L_overlay_start_0:
0x0: {  	s2 =	sld [smem:$0x3FD9]  }
0x1: {  	s3 =	sld [smem:$0x3FFE];
	_ =	sdelay $0x1  }
0x2: {  	s1 =	srdreg.scid  }
0x3: {  	s0 =	sand.u32 $0x1, s1  }
0x4: {  	s18 =	sshll.u32 s0, $0xA;
	s2 =	sadd.s32 s3, s2  }
0x5: {  	s2 =	sadd.s32 s2, s18  }
0x6: {  	[smem:$0x3FC6] =	sst s2  }
0x7: {  	_ = 	snop  }
0x8: {  	s2 =	sld [smem:$0x3FD0];
	(tm) =	ssettm $0x1  }
0x9: {  	s19 =	sld [smem:$0x3FFB];
	_ =	sdelay $0x3  }
0xa: {  	_ =	strace s19  }
0xb: {  	s3 =	sld [smem:$0x3FFC];
	_ =	sdelay $0x3  }
0xc: {  	_ =	strace s3  }
0xd: {  	s3 =	sld [smem:$0x3FFD];
	_ =	sdelay $0x3  }
0xe: {  	_ =	strace s3  }
0xf: {  	_ =	strace $0x8FFFFFFF  }
0x10: {  	s20 =	sld [smem:$0x3FDB];
	_ =	sdelay $0x1  }
0x11: {  	s4 =	simm.s32 $_scs_section_size  }
0x12: {  	s5 =	simm.s32 $_size__tile_overlayer_lowered;
	s6 =	simm.s32 $_tile_overlayer_lowered  }
0x13: {  	s23 =	simm.s32 $0x1BFF;
	s22 =	sshll.u32 s6, $0x1;
	s3 =	sadd.s32 s4, s20  }
0x14: {  	s7 =	simm.s32 $0x0;
	s21 =	sshll.u32 s5, $0x1;
	s5 =	sadd.s32 s22, s3  }
0x15: {  	[timem:s7], [sflag:s23] =	dma.local [hbm:s5], s21  }
0x16: {  	_ =	swait.ge [sflag:s23], s21  }
0x17: {  	s4 =	ssub.s32 $0x0, s21;
	[sflag:s23] =	ssyncset.done $0x0  }
0x18: {  	[sflag:s23] =	ssyncadd.s32 s4;
	_ =	sdelay $0x1  }
0x19: {  	s24 =	simm.s32 $0x1B8B  }
0x1a: {  	_ =	swait.ge [sflag:s24], $0x1  }
0x1b: {  	[sflag:s24] =	ssyncset.done $0x0  }
0x1c: {  	s26 =	simm.s32 $0x1B8E;
	s25 =	sld [smem:$0x3FFE];
	[sflag:s24] =	ssyncadd.s32 $0xFFFFFFFF  }
0x1d: {  	s27 =	simm.s32 $execute0_lowered;
	[smem:$0x3FD2] =	sst s26  }
0x1e: {  	s5 =	sshll.u32 s27, $0x1;
	_ =	strace $0x80000049;
	[dreg:$0x1] =	wrdreg $0xFFFFFFFF  }
0x1f: {  	s28 =	simm.s32 $_size_execute0_lowered;
	s3 =	sadd.s32 s3, s5;
	[dreg:$0x0] =	wrdreg $0x0  }
0x20: {  	s5 =	sshll.u32 s28, $0x1;
	[dreg:$0x2] =	wrdreg s3  }
0x21: {  	[dreg:$0x3] =	wrdreg s5  }
0x22: {  	[dreg:$0x4] =	wrdreg $0xC0  }
0x23: {  	_ =	task [dreg:s7], $0x5FFFF  }
0x24: {  	[dreg:$0x1] =	wrdreg $0xFFFFFFFF  }
0x25: {  	[dreg:$0x0] =	wrdreg $0x60  }
0x26: {  	[dreg:$0x2] =	wrdreg s25  }
0x27: {  	[dreg:$0x3] =	wrdreg s2  }
0x28: {  	[dreg:$0x4] =	wrdreg $0x9  }
0x29: {  	_ =	task.clear_ibuf [dreg:s7], $0x5FFFF;
	_ =	strace $0x90000049  }
0x2a: {  	s29 =	simm.s32 $0x9;
	_ =	strace $0x8000004B  }
0x2b: {  	_ =	swait.ge [sflag:s29], $0x1  }
0x2c: {  	[sflag:s29] =	ssyncadd.s32 $0xFFFFFFFF  }
0x2d: {  	_ =	strace $0x9000004B  }
0x2e: {  	_ =	sfence  }
0x2f: {  	s30 =	sld [smem:$0x0];
	_ =	sdelay $0x2  }
0x30: {  	s31 =	sshll.u32 s1, $0xD;
	s1 =	sshrl.u32 s1, $0x2  }
0x31: {  	s3 =	sand.u32 $0x4000, s31;
	s1 =	sadd.s32 s1, s30  }
0x32: {  	s0 =	sor.u32 s3, s0;
	s1 =	sshll.u32 s1, $0x11  }
0x33: {  	s0 =	sor.u32 s1, s0  }
0x34: {  	s0 =	sadd.s32 $0x8F2B, s0  }
0x35: {  	[sflag:s0] =	ssyncadd.remote.s32 $0x1  }
0x36: {  	_ =	sfence.sel $0xFFFF  }
0x37: {  	[dreg:$0x0] =	wrdreg $0xFFFFFFFF;
	(pc) =	sbr.abs _section_cstart, $3  }
0x38: {  	[dreg:$0x1] =	wrdreg $0xFFFFFFFF  }
0x39: {  	_ =	task.clear_ibuf [dreg:s7], $0x2FFFF;
	_ =	strace $0x9FFFFFFF  }
0x3a: {  	(tm) =	ssettm $0x7FFFFFFF  }
0x3b: {  	_ =	shalt  }
tec
execute0_lowered:
.L_overlay_start_1:
0x0: {  	(tag) =	ssettag $0x1  }
0x1: {  	s0 =	srdreg.scid  }
0x2: {  	s1 =	sshll.u32 s0, $0x4  }
0x3: {  	s0 =	stileid.u32;
	s1 =	sand.u32 $0x10, s1  }
0x4: {  	s1 =	sor.u32 s0, s1  }
0x5: {  	s6 =	rddreg [dreg:$0x0];
	s4 =	simm.s32 $0x1;
	s2 =	sshll.u32 s1, $0x7  }
0x6: {  	s7 =	simm.s32 $0x2;
	s12 =	simm.s32 $0x0;
	s1 =	ssub.s32 $0x1000, s2  }
0x7: {  	s8 =	simm.s32 $0x8000;
	s13 =	simm.s32 $0x0;
	s3 =	sand.u32 $0xF80, s1  }
0x8: {  	s9 =	simm.s32 $0x0;
	s5 =	sshrl.u32 s1, $0xC;
	p0 =	sne.s32 s3, $0x0  }
.Ltmp0:
0x9: {  	s1 =	rddreg [dreg:$0x2];
	s4 =	simm.s32 @!p0 $0x0;
	(pc) =	sbr.rel .LBB1_1-.Ltmp0, $4  }
0xa: {  	s11 =	simm.s32 $0x0;
	s3 =	rddreg [dreg:$0x1];
	s5 =	sadd.s32 s4, s5  }
0xb: {  	_ =	strace $0x8000004A;
	s4 =	simm.s32 $0x1;
	s5 =	smul.u32 $0xC8, s5  }
0xc: {  	s6 =	sadd.s32 $0xA00, s6;
	s10 =	smov.u32 s2;
	[sflag:s4] =	ssyncpa.u1 $0x0  }
0xd: {  	p0 =	por $0x0, $0x0;
	[sflag:s7] =	ssyncpa.u1 $0x0;
	s7 =	sor.u32 $0x1, s5  }
.LBB1_4:
0xe: {  	s16 =	sshll.u32 s13, $0x3;
	s17 =	sand.u32 $0x78, s13  }
0xf: {  	s30 =	sand.u32 $0x7E00, s13;
	s12 =	sshll.u32 s12, $0xF;
	s16 =	sand.u32 $0xC00, s16  }
0x10: {  	[tilespmem:s15+$0x810 ss:$0x81] =	vst.msk $0xffff, v2;
	s31 =	sand.u32 $0x7, s13;
	s16 =	sor.u32 s17, s16;
	s17 =	sadd.s32 s3, s30  }
0x11: {  	[tilespmem:s15+$0x1020 ss:$0x81] =	vst.msk $0xffff, v0;
	s13 =	sshll.u32 s31, $0x12;
	s12 =	sadd.s32 s12, s17;
	s16 =	sshrl.u32 s16, $0x3  }
0x12: {  	[tilespmem:s15+$0x0 ss:$0x81] =	vst.msk $0xffff, v1;
	s13 =	sor.u32 $0x400, s13;
	s12 =	sadd.s32 s16, s12  }
0x13: {  	[hbm4b:s12+s13] =	stream.strided.scatter [tilespmem:s14], [sflag:$0x2], $0x2000, s8, s13, $0x20;
	[tilespmem:$0x8080] =	vst v63  }
.LBB1_5:
0x14: {  	s14 =	sadd.s32 $0x1, s9  }
0x15: {  	s12 =	sadd.s32 $0x1000, s10;
	s16 =	smov.u32 s10;
	p2 =	sgt.s32 s14, $0xC7  }
0x16: {  	s16 =	smov.u32 @p2 s12  }
0x17: {  	s14 =	simm.s32 @p2 $0x0;
	p2 =	sgt.s32 s16, $0xFFF  }
0x18: {  	s16 =	smov.u32 @p2 s2;
	p2 =	sne.s32 s11, s7  }
.Ltmp1:
0x19: {  	p1 =	slt.u32 s11, $0x2;
	(pc) =	sbr.rel @!p2 .LBB1_6-.Ltmp1, $4  }
0x1a: {  	s15 =	simm.s32 @!p1 $0x2  }
0x1b: {  	s13 =	smov.u32 s10;
	p0 =	por !p0, !p0;
	_ =	swait.ge @!p1 [sflag:s15], $0x2000  }
0x1c: {  	s12 =	smov.u32 s9;
	[sflag:s15] =	ssyncset.done @!p1 $0x0;
	s9 =	smov.u32 s14  }
0x1d: {  	s11 =	sadd.s32 $0x1, s11;
	[sflag:s15] =	ssyncadd.s32 @!p1 $0xFFFFE000;
	s10 =	smov.u32 s16  }
.LBB1_1:
0x1e: {  	p1 =	sge.u32 s11, s5  }
0x1f: {  	s14 =	sand.u32 @!p1 $0x1FFFFFF, s9  }
0x20: {  	s15 =	smulhi.u32 @!p1 $0x147AE15, s14;
	_ =	sdelay $0x1  }
0x21: {  	s15 =	smul.u32 @!p1 $0xC8, s15  }
0x22: {  	s16 =	sxor.u32 @!p1 $0xFFFFFFFF, s11;
	s17 =	smul.u32 @!p1 $0xC80, s10  }
0x23: {  	s31 =	sadd.s32 $0xFFFFFFFF, s11;
	s16 =	sshll.u32 @!p1 s16, $0xD;
	s14 =	ssub.s32 @!p1 s14, s15  }
0x24: {  	s15 =	sand.u32 @!p1 $0x2000, s16;
	s16 =	sadd.s32 @!p1 s6, s17;
	s14 =	sshll.u32 @!p1 s14, $0x4  }
0x25: {  	s17 =	simm.s32 @!p1 $0x6400;
	s14 =	sadd.s32 @!p1 s14, s16;
	s16 =	simm.s32 @!p1 $0x40  }
0x26: {  	[tilespmem:s15], [sflag:$0x1] =	stream.strided.gather @!p1 [hbm4b:s14+s16], $0x2000, s17, s16, $0x38;
	[tilespmem:$0x8080] =	vst v63  }
0x27: {  	p1 =	sge.u32 s31, s5  }
.Ltmp2:
0x28: {  	_ = 	snop;
	(pc) =	sbr.rel @p1 .LBB1_5-.Ltmp2, $1  }
0x29: {  	_ =	sdelay $0x3  }
0x2a: {  	s14 =	simm.s32 $0x1  }
0x2b: {  	_ =	swait.ge [sflag:s4], $0x2000;
	s14 =	simm.s32 @!p0 $0x0  }
0x2c: {  	[sflag:s4] =	ssyncset.done $0x0;
	s15 =	sshll.u32 s14, $0xD  }
0x2d: {  	[sflag:s4] =	ssyncadd.s32 $0xFFFFE000;
	s18 =	sor.u32 $0x20, s15  }
0x2e: {  	s14 =	smul.u32 $0x8100, s14;
	v3 =	vld [tilespmem:s18+$0x10]  }
0x2f: {  	s30 =	sand.u32 $0x1, s11;
	v2 =	vld [tilespmem:s18+$0xFFFFFFF0]  }
0x30: {  	s15 =	smul.u32 $0x8100, s30;
	s14 =	sshrl.u32 s14, $0x2;
	v0 =	vld [tilespmem:s18+$0x0]  }
0x31: {  	v1 =	vld [tilespmem:s18+$0xFFFFFFE0];
	s16 =	sor.u32 $0x4000, s14  }
0x32: {  	s31 =	sshrl.u32 s15, $0x2;
	s15 =	sadd.s32 $0x0, s16  }
0x33: {  	s17 =	simm.s32 $0x4;
	s18 =	sadd.s32 $0x40, s18;
	s14 =	sor.u32 $0x4000, s31;
	[tilespmem:s15+$0x1830 ss:$0x81] =	vst.msk $0xffff, v3  }
.LBB1_3:
0x34: {  	v3 =	vld [tilespmem:s18+$0x10];
	p1 =	sne.s32 s17, $0x1FC;
	[tilespmem:s15+$0x810 ss:$0x81] =	vst.msk $0xffff, v2;
	s19 =	smov.u32 s17;
	s17 =	sadd.s32 $0x4, s17  }
.Ltmp3:
0x35: {  	v2 =	vld [tilespmem:s18+$0xFFFFFFF0];
	[tilespmem:s15+$0x1020 ss:$0x81] =	vst.msk $0xffff, v0;
	(pc) =	sbr.rel @p1 .LBB1_3-.Ltmp3, $4  }
0x36: {  	v0 =	vld [tilespmem:s18+$0x0];
	[tilespmem:s15+$0x0 ss:$0x81] =	vst.msk $0xffff, v1  }
0x37: {  	s15 =	sshra.s32 s19, $0x2;
	v1 =	vld [tilespmem:s18+$0xFFFFFFE0]  }
0x38: {  	s15 =	sadd.s32 s15, s16  }
0x39: {  	s18 =	sadd.s32 $0x40, s18;
	[tilespmem:s15+$0x1830 ss:$0x81] =	vst.msk $0xffff, v3  }
.Ltmp4:
0x3a: {  	_ = 	snop;
	(pc) =	sbr.rel .LBB1_4-.Ltmp4, $1  }
0x3b: {  	_ =	sdelay $0x3  }
.LBB1_6:
0x3c: {  	_ =	sfence.sel $0x180000  }
0x3d: {  	s2 =	simm.s32 $0x1;
	[bflag:$0x0] =	sbarrier.arrive $0xFFFF  }
0x3e: {  	s31 =	simm.s32 $0x2;
	[sflag:s2] =	ssyncpa.u1 $0x1  }
0x3f: {  	[sflag:s31] =	ssyncpa.u1 $0x1  }
0x40: {  	p0 =	sne.s32 s0, $0x0;
	_ =	strace $0x9000004A  }
0x41: {  	s0 =	sadd.s32 @!p0 $0x100000, s1;
	[bflag:$0x2] =	sbarrier.arrive $0xFFFF  }
0x42: {  	[sflag:s0] =	ssyncadd.tile.s32 @!p0 $0x1;
	_ =	shalt  }
.Lfunc_end1:
_tile_overlayer_lowered:
.L_overlay_start_2:
0x43: {  	(tag) =	ssettag $0x2  }
0x44: {  	s0 =	rddreg [dreg:$0x0];
	s2 =	stileid.u32  }
0x45: {  	s1 =	rddreg [dreg:$0x1];
	p0 =	sne.s32 s2, $0x0  }
0x46: {  	s3 =	rddreg [dreg:$0x2];
	[bflag:$0x3] =	sbarrier.arrive $0xFFFF;
	s2 =	simm.s32 @!p0 $0x1C01  }
0x47: {  	[timem:s3], [sflag:s2] =	dma.local @!p0 [hbm:s0], s1  }
0x48: {  	s0 =	simm.s32 @!p0 $0x1  }
0x49: {  	_ =	swait.ge @!p0 [sflag:s0], s1  }
0x4a: {  	s1 =	ssub.s32 @!p0 $0x0, s1;
	[sflag:s0] =	ssyncset.done @!p0 $0x0  }
0x4b: {  	[sflag:s0] =	ssyncadd.s32 @!p0 s1  }
0x4c: {  	[bflag:$0x3] =	sbarrier.arrive $0xFFFF  }
0x4d: {  	_ =	shalt  }

</sc_bundles>
